<compile_context>
chip_gen: v7x
topology: tpu7x:2x2x1
jax: 0.10.2.dev20260603
libtpu: 0.0.44.dev20260713+nightly
codegen_flags: <defaults>
</compile_context>

<pallas_src>
import jax
import jax.numpy as jnp
from jax import lax
from jax.experimental import pallas as pl
from jax.experimental.pallas import tpu as pltpu
from jax.experimental.pallas import tpu_sc as plsc
from jax._src.pallas import mpmd as _mpmd

_REP_DIM = 768
_HID = 384
_TOPK = 64
_TEMP = 0.1
_B, _N = 32, 2048
_BN = 1024
_NB = _N // _BN


def _logits_body(reps_ref, w1_ref, b1_ref, w2_ref, lg_ref, base_ref):
    x = reps_ref[0]
    h = jax.lax.dot_general(
        x, w1_ref[...], (((1,), (1,)), ((), ())),
        preferred_element_type=jnp.float32,
    )
    h = jnp.tanh(h + b1_ref[...])
    lg128 = jax.lax.dot_general(
        h.astype(jnp.bfloat16), w2_ref[...], (((1,), (0,)), ((), ())),
        preferred_element_type=jnp.float32,
    )
    lg_ref[0, 0, 0, :] = lg128[:, 0]
    base_ref[0] = jnp.zeros((_BN, _REP_DIM), jnp.float32)


def _compute_logits_and_base(reps, W1, b1, W2):
    call = pl.pallas_call(
        _logits_body,
        grid=(_B * _N // _BN,),
        in_specs=[
            pl.BlockSpec((1, _BN, _REP_DIM), lambda i: (i // _NB, i % _NB, 0)),
            pl.BlockSpec((_HID, _REP_DIM), lambda i: (0, 0)),
            pl.BlockSpec((1, _HID), lambda i: (0, 0)),
            pl.BlockSpec((_HID, 128), lambda i: (0, 0)),
        ],
        out_specs=[
            pl.BlockSpec((1, 1, 1, _BN), lambda i: (i // _NB, i % _NB, 0, 0)),
            pl.BlockSpec((1, _BN, _REP_DIM), lambda i: (i // _NB, i % _NB, 0)),
        ],
        out_shape=[
            jax.ShapeDtypeStruct((_B, _NB, 1, _BN), jnp.float32),
            jax.ShapeDtypeStruct((_B, _N, _REP_DIM), jnp.float32),
        ],
    )
    w2col = jnp.tile(W2.astype(jnp.bfloat16).reshape(_HID, 1), (1, 128))
    lg, base = call(reps, W1, b1.reshape(1, _HID), w2col)
    return lg.reshape(_B, _N), base


def _topk_body(lg_ref, b2_ref, g_ref, madd_ref, ind_ref, oh_ref):
    logits = lg_ref[...] + b2_ref[...]
    z = ((logits + g_ref[...]) + madd_ref[...]) / _TEMP
    zmax = jnp.max(z, axis=1, keepdims=True)
    e = jnp.exp(z - zmax)
    y = e / jnp.sum(e, axis=1, keepdims=True)
    col = lax.broadcasted_iota(jnp.int32, (_B, _N), 1)
    y = y + jnp.where(col == 0, jnp.float32(10000.0), jnp.float32(0.0))

    oh = jnp.zeros((_B, _N), jnp.int32)
    ind_cols = []
    for _ in range(_TOPK):
        m = jnp.max(y, axis=1, keepdims=True)
        idx = jnp.min(jnp.where(y == m, col, _N), axis=1, keepdims=True)
        sel = col == idx
        oh = oh | sel.astype(jnp.int32)
        y = jnp.where(sel, jnp.float32(-1.0), y)
        ind_cols.append(idx)
    ind_ref[...] = jnp.concatenate(ind_cols, axis=1)
    oh_ref[...] = oh


def _topk(lg, b2, g, madd):
    return pl.pallas_call(
        _topk_body,
        out_shape=[
            jax.ShapeDtypeStruct((_B, _TOPK), jnp.int32),
            jax.ShapeDtypeStruct((_B, _N), jnp.int32),
        ],
    )(lg, b2.reshape(1, 1), g, madd)


def _sc_scatter_body(base_ref, reps_ref, ind_ref, out_ref, idx_v, rows_v, sem):
    del base_ref
    b = lax.axis_index("s") * 2 + lax.axis_index("c")
    pltpu.sync_copy(ind_ref.at[b], idx_v)
    row0 = b * _N
    for k in range(_TOPK // 16):
        sl = pl.ds(k * 16, 16)
        idx_v[sl] = idx_v[sl] + jnp.full((16,), row0, jnp.int32)
    pltpu.async_copy(reps_ref.at[idx_v], rows_v, sem).wait()
    pltpu.async_copy(rows_v, out_ref.at[idx_v], sem).wait()


def _sc_scatter(base, reps_flat, ind):
    mesh = plsc.VectorSubcoreMesh(core_axis_name="c", subcore_axis_name="s")
    fn = _mpmd._mpmd_map(
        [(mesh, _sc_scatter_body)],
        jax.ShapeDtypeStruct((_B * _N, _REP_DIM), jnp.float32),
        input_output_aliases={0: 0},
        scratch_types=[
            pltpu.VMEM((_TOPK,), jnp.int32),
            pltpu.VMEM((_TOPK, _REP_DIM), jnp.float32),
            pltpu.SemaphoreType.DMA,
        ],
    )
    return fn(base, reps_flat, ind)


def _gumbel_noise(shape, eps=1e-20):
    U = jax.random.uniform(jax.random.key(42), shape, dtype=jnp.float32)
    return -jnp.log(-jnp.log(U + eps) + eps)


def kernel(reps, mask, W1, b1, W2, b2):
    lg, base = _compute_logits_and_base(reps, W1, b1, W2)
    madd = (~mask).astype(jnp.float32) * -10000.0
    ind, oh = _topk(lg, b2, _gumbel_noise((_B, _N)), madd)
    out = _sc_scatter(
        base.reshape(_B * _N, _REP_DIM),
        reps.reshape(_B * _N, _REP_DIM),
        ind,
    )
    sampled_reps = out.reshape(_B, _N, _REP_DIM)
    sampled_mask = oh.astype(bool) & mask
    return sampled_reps, sampled_mask, ind

# --- scband reference (transcript-rebuilt; emitter-appended) ---
"""Pipeline reference for scband-gumbel-sampler-42674795053920 (READ-ONLY COPY).

The authoritative reference and input builder live on the scoring server;
editing this copy changes nothing except your own understanding.
"""

import jax, jax.numpy as jnp
import numpy as np

REP_DIM = 768
HID = REP_DIM // 2
TOPK = 64
TEMP = 0.1
B, N = 32, 2048


def setup_inputs(seed: int = 0) -> dict:
    key = jax.random.key(seed)
    k1, k2, k3 = jax.random.split(key, 3)
    reps = jax.random.normal(k1, (B, N, REP_DIM), dtype=jnp.float32)
    mask = jnp.ones((B, N), dtype=bool)
    W1 = jax.random.normal(k2, (HID, REP_DIM), dtype=jnp.float32) * 0.02
    b1 = jnp.zeros((HID,), dtype=jnp.float32)
    W2 = jax.random.normal(k3, (1, HID), dtype=jnp.float32) * 0.02
    b2 = jnp.zeros((1,), dtype=jnp.float32)
    return {"reps": reps, "mask": mask, "W1": W1, "b1": b1, "W2": W2, "b2": b2}


def _gumbel_noise(shape, eps=1e-20):
    U = jax.random.uniform(jax.random.key(42), shape, dtype=jnp.float32)
    return -jnp.log(-jnp.log(U + eps) + eps)


def reference(reps, mask, W1, b1, W2, b2):
    # logits = logit_reducer2(tanh(logit_reducer(reps))).squeeze(-1)
    h = jnp.tanh(reps @ W1.T + b1)
    logits = jnp.squeeze(h @ W2.T + b2, axis=-1)  # [B, N]
    # mask arg to gumbel_softmax: ~mask * -10000
    mask_add = (~mask).astype(jnp.float32) * -10000.0
    # training-mode gumbel_softmax_sample
    y = logits + _gumbel_noise(logits.shape)
    y = y + mask_add
    y = jax.nn.softmax(y / TEMP, axis=-1)
    # cls_force: force class 0
    y = y.at[:, 0].add(10000.0)
    _, ind = jax.lax.top_k(y, TOPK)  # [B, TOPK]
    y_hard = jnp.zeros_like(y).at[jnp.arange(y.shape[0])[:, None], ind].set(1.0)
    gumbel_mask = jax.lax.stop_gradient(y_hard - y) + y
    # training branch
    sampled_reps = reps * gumbel_mask[..., None]
    sampled_mask = jnp.where(gumbel_mask == 0, False, mask)
    return sampled_reps, sampled_mask, ind

if __name__ == "__main__":
    import jax
    _d = setup_inputs()
    print(jax.jit(kernel)(*tuple(_d.values())))

</pallas_src>

<mosaic_0001>
#map = affine_map<(d0, d1) -> (0, 0)>
module attributes {stable_mosaic.version = 14 : i64} {
  func.func @_sc_scatter_body(%arg0: i32, %arg1: i32, %arg2: memref<65536x768xf32, #tpu.memory_space<hbm>>, %arg3: memref<65536x768xf32, #tpu.memory_space<hbm>>, %arg4: memref<32x64xi32, #tpu.memory_space<hbm>>, %arg5: memref<65536x768xf32, #tpu.memory_space<hbm>>, %arg6: memref<64xi32, #tpu.memory_space<vmem>>, %arg7: memref<64x768xf32, #tpu.memory_space<vmem>>, %arg8: memref<!tpu.dma_semaphore, #tpu.memory_space<semaphore_mem>>) attributes {dimension_semantics = [#tpu.dimension_semantics<core_parallel>, #tpu.dimension_semantics<subcore_parallel>], iteration_bounds = array<i64: 2, 16>, scalar_prefetch = 0 : i64, scratch_operands = 3 : i64, tpu.core_type = #tpu.core_type<sc_vector_subcore>, window_params = [{transform_indices = #map}, {transform_indices = #map}, {transform_indices = #map}, {transform_indices = #map}]} {
    %mul3A = arith.constant 2 : i32
    %mul3A_0 = arith.muli %arg1, %mul3A : i32
    %add3A = arith.addi %mul3A_0, %arg0 : i32
    "tpu.region"() ({
      %run_scoped3A = tpu.sem_alloc : memref<!tpu.dma_semaphore, #tpu.memory_space<semaphore_mem>>
      %dma_start3A_46 = arith.constant 0 : i32
      %dma_start3A_47 = tpu.memref_slice %arg4[%add3A, %dma_start3A_46] : memref<32x64xi32, #tpu.memory_space<hbm>> -> memref<1x64xi32, #tpu.memory_space<hbm>>
      %dma_start3A_48 = tpu.memref_squeeze %dma_start3A_47 : memref<1x64xi32, #tpu.memory_space<hbm>> -> memref<64xi32, #tpu.memory_space<hbm>>
      %dma_start3A_49 = arith.constant 0 : i32
      %dma_start3A_50 = tpu.memref_slice %arg4[%add3A, %dma_start3A_49] : memref<32x64xi32, #tpu.memory_space<hbm>> -> memref<1x64xi32, #tpu.memory_space<hbm>>
      %dma_start3A_51 = tpu.memref_squeeze %dma_start3A_50 : memref<1x64xi32, #tpu.memory_space<hbm>> -> memref<64xi32, #tpu.memory_space<hbm>>
      tpu.enqueue_dma source(%dma_start3A_51 : memref<64xi32, #tpu.memory_space<hbm>>) target(%arg6 : memref<64xi32, #tpu.memory_space<vmem>>) target_semaphore(%run_scoped3A : memref<!tpu.dma_semaphore, #tpu.memory_space<semaphore_mem>>)
      %dma_wait3A_52 = arith.constant 0 : i32
      %dma_wait3A_53 = tpu.memref_slice %arg4[%add3A, %dma_wait3A_52] : memref<32x64xi32, #tpu.memory_space<hbm>> -> memref<1x64xi32, #tpu.memory_space<hbm>>
      %dma_wait3A_54 = tpu.memref_squeeze %dma_wait3A_53 : memref<1x64xi32, #tpu.memory_space<hbm>> -> memref<64xi32, #tpu.memory_space<hbm>>
      %dma_wait3A_55 = arith.constant 0 : i32
      %dma_wait3A_56 = tpu.memref_slice %arg4[%add3A, %dma_wait3A_55] : memref<32x64xi32, #tpu.memory_space<hbm>> -> memref<1x64xi32, #tpu.memory_space<hbm>>
      %dma_wait3A_57 = tpu.memref_squeeze %dma_wait3A_56 : memref<1x64xi32, #tpu.memory_space<hbm>> -> memref<64xi32, #tpu.memory_space<hbm>>
      tpu.wait_dma2 semaphore(%run_scoped3A : memref<!tpu.dma_semaphore, #tpu.memory_space<semaphore_mem>>) src(%dma_wait3A_57 : memref<64xi32, #tpu.memory_space<hbm>>) dst(%arg6 : memref<64xi32, #tpu.memory_space<vmem>>)
      tpu.yield
    }) : () -> ()
    %mul3A_1 = arith.constant 2048 : i32
    %mul3A_2 = arith.muli %add3A, %mul3A_1 : i32
    %get3A = arith.constant 0 : index
    %get3A_3 = tpu.vector_load %arg6[%get3A] {strides = array<i32>} : memref<64xi32, #tpu.memory_space<vmem>>, vector<16xi32>,
    %get3A_4 = vector.shape_cast %get3A_3 : vector<16xi32> to vector<16xi32>
    %broadcast_in_dim3A = vector.broadcast %mul3A_2 : i32 to vector<16xi32>
    %add3A_5 = arith.addi %get3A_4, %broadcast_in_dim3A : vector<16xi32>
    %swap3A = arith.constant 0 : index
    %swap3A_6 = tpu.vector_load %arg6[%swap3A] {strides = array<i32>} : memref<64xi32, #tpu.memory_space<vmem>>, vector<16xi32>,
    %swap3A_7 = vector.shape_cast %swap3A_6 : vector<16xi32> to vector<16xi32>
    %swap3A_8 = vector.shape_cast %add3A_5 : vector<16xi32> to vector<16xi32>
    tpu.vector_store %arg6[%swap3A], %swap3A_8 {strides = array<i32>} : memref<64xi32, #tpu.memory_space<vmem>>, vector<16xi32>,
    %get3A_9 = arith.constant 16 : index
    %get3A_10 = tpu.vector_load %arg6[%get3A_9] {strides = array<i32>} : memref<64xi32, #tpu.memory_space<vmem>>, vector<16xi32>,
    %get3A_11 = vector.shape_cast %get3A_10 : vector<16xi32> to vector<16xi32>
    %broadcast_in_dim3A_12 = vector.broadcast %mul3A_2 : i32 to vector<16xi32>
    %add3A_13 = arith.addi %get3A_11, %broadcast_in_dim3A_12 : vector<16xi32>
    %swap3A_14 = arith.constant 16 : index
    %swap3A_15 = tpu.vector_load %arg6[%swap3A_14] {strides = array<i32>} : memref<64xi32, #tpu.memory_space<vmem>>, vector<16xi32>,
    %swap3A_16 = vector.shape_cast %swap3A_15 : vector<16xi32> to vector<16xi32>
    %swap3A_17 = vector.shape_cast %add3A_13 : vector<16xi32> to vector<16xi32>
    tpu.vector_store %arg6[%swap3A_14], %swap3A_17 {strides = array<i32>} : memref<64xi32, #tpu.memory_space<vmem>>, vector<16xi32>,
    %get3A_18 = arith.constant 32 : index
    %get3A_19 = tpu.vector_load %arg6[%get3A_18] {strides = array<i32>} : memref<64xi32, #tpu.memory_space<vmem>>, vector<16xi32>,
    %get3A_20 = vector.shape_cast %get3A_19 : vector<16xi32> to vector<16xi32>
    %broadcast_in_dim3A_21 = vector.broadcast %mul3A_2 : i32 to vector<16xi32>
    %add3A_22 = arith.addi %get3A_20, %broadcast_in_dim3A_21 : vector<16xi32>
    %swap3A_23 = arith.constant 32 : index
    %swap3A_24 = tpu.vector_load %arg6[%swap3A_23] {strides = array<i32>} : memref<64xi32, #tpu.memory_space<vmem>>, vector<16xi32>,
    %swap3A_25 = vector.shape_cast %swap3A_24 : vector<16xi32> to vector<16xi32>
    %swap3A_26 = vector.shape_cast %add3A_22 : vector<16xi32> to vector<16xi32>
    tpu.vector_store %arg6[%swap3A_23], %swap3A_26 {strides = array<i32>} : memref<64xi32, #tpu.memory_space<vmem>>, vector<16xi32>,
    %get3A_27 = arith.constant 48 : index
    %get3A_28 = tpu.vector_load %arg6[%get3A_27] {strides = array<i32>} : memref<64xi32, #tpu.memory_space<vmem>>, vector<16xi32>,
    %get3A_29 = vector.shape_cast %get3A_28 : vector<16xi32> to vector<16xi32>
    %broadcast_in_dim3A_30 = vector.broadcast %mul3A_2 : i32 to vector<16xi32>
    %add3A_31 = arith.addi %get3A_29, %broadcast_in_dim3A_30 : vector<16xi32>
    %swap3A_32 = arith.constant 48 : index
    %swap3A_33 = tpu.vector_load %arg6[%swap3A_32] {strides = array<i32>} : memref<64xi32, #tpu.memory_space<vmem>>, vector<16xi32>,
    %swap3A_34 = vector.shape_cast %swap3A_33 : vector<16xi32> to vector<16xi32>
    %swap3A_35 = vector.shape_cast %add3A_31 : vector<16xi32> to vector<16xi32>
    tpu.vector_store %arg6[%swap3A_32], %swap3A_35 {strides = array<i32>} : memref<64xi32, #tpu.memory_space<vmem>>, vector<16xi32>,
    %dma_start3A = arith.constant 0 : i32
    %dma_start3A_36 = arith.constant 0 : i32
    %dma_start3A_37 = tpu.memref_slice %arg3[%dma_start3A, %dma_start3A_36] : memref<65536x768xf32, #tpu.memory_space<hbm>> -> memref<65536x768xf32, #tpu.memory_space<hbm>>
    tpu.enqueue_indirect_dma source(%dma_start3A_37 : memref<65536x768xf32, #tpu.memory_space<hbm>>) target(%arg7 : memref<64x768xf32, #tpu.memory_space<vmem>>) offsets(%arg6 : memref<64xi32, #tpu.memory_space<vmem>>) semaphore(%arg8 : memref<!tpu.dma_semaphore, #tpu.memory_space<semaphore_mem>>)
    %dma_wait3A = arith.constant 0 : i32
    %dma_wait3A_38 = arith.constant 0 : i32
    %dma_wait3A_39 = tpu.memref_slice %arg3[%dma_wait3A, %dma_wait3A_38] : memref<65536x768xf32, #tpu.memory_space<hbm>> -> memref<65536x768xf32, #tpu.memory_space<hbm>>
    tpu.wait_indirect_dma semaphore(%arg8 : memref<!tpu.dma_semaphore, #tpu.memory_space<semaphore_mem>>) src(%dma_wait3A_39 : memref<65536x768xf32, #tpu.memory_space<hbm>>) dst(%arg7 : memref<64x768xf32, #tpu.memory_space<vmem>>)
    %dma_start3A_40 = arith.constant 0 : i32
    %dma_start3A_41 = arith.constant 0 : i32
    %dma_start3A_42 = tpu.memref_slice %arg5[%dma_start3A_40, %dma_start3A_41] : memref<65536x768xf32, #tpu.memory_space<hbm>> -> memref<65536x768xf32, #tpu.memory_space<hbm>>
    tpu.enqueue_indirect_dma source(%arg7 : memref<64x768xf32, #tpu.memory_space<vmem>>) target(%dma_start3A_42 : memref<65536x768xf32, #tpu.memory_space<hbm>>) offsets(%arg6 : memref<64xi32, #tpu.memory_space<vmem>>) semaphore(%arg8 : memref<!tpu.dma_semaphore, #tpu.memory_space<semaphore_mem>>)
    %dma_wait3A_43 = arith.constant 0 : i32
    %dma_wait3A_44 = arith.constant 0 : i32
    %dma_wait3A_45 = tpu.memref_slice %arg5[%dma_wait3A_43, %dma_wait3A_44] : memref<65536x768xf32, #tpu.memory_space<hbm>> -> memref<65536x768xf32, #tpu.memory_space<hbm>>
    tpu.wait_indirect_dma semaphore(%arg8 : memref<!tpu.dma_semaphore, #tpu.memory_space<semaphore_mem>>) src(%arg7 : memref<64x768xf32, #tpu.memory_space<vmem>>) dst(%dma_wait3A_45 : memref<65536x768xf32, #tpu.memory_space<hbm>>)
    return
  }
}

module attributes {stable_mosaic.version = 14 : i64} {
  func.func @_logits_body(%arg0: i32, %arg1: memref<1x1024x768xf32, #tpu.memory_space<vmem>>, %arg2: memref<384x768xf32, #tpu.memory_space<vmem>>, %arg3: memref<1x384xf32, #tpu.memory_space<vmem>>, %arg4: memref<384x128xbf16, #tpu.memory_space<vmem>>, %arg5: memref<1x1x1x1024xf32, #tpu.memory_space<vmem>>, %arg6: memref<1x1024x768xf32, #tpu.memory_space<vmem>>) attributes {dimension_semantics = [#tpu.dimension_semantics<arbitrary>], iteration_bounds = array<i64: 64>, scalar_prefetch = 0 : i64, scratch_operands = 0 : i64, tpu.core_type = #tpu.core_type<tc>, window_params = [{transform_indices = @transform_0, window_bounds = array<i64: 1, 1024, 768>}, {pipeline_mode = #tpu.pipeline_mode<synchronous>, transform_indices = @transform_1, window_bounds = array<i64: 384, 768>}, {pipeline_mode = #tpu.pipeline_mode<synchronous>, transform_indices = @transform_2, window_bounds = array<i64: 1, 384>}, {pipeline_mode = #tpu.pipeline_mode<synchronous>, transform_indices = @transform_3, window_bounds = array<i64: 384, 128>}, {transform_indices = @transform_4, window_bounds = array<i64: 1, 1, 1, 1024>}, {transform_indices = @transform_5, window_bounds = array<i64: 1, 1024, 768>}]} {
    %get3A = arith.constant 0 : index
    %get3A_0 = arith.constant 0 : index
    %get3A_1 = arith.constant 0 : index
    %get3A_2 = vector.load %arg1[%get3A, %get3A_0, %get3A_1] : memref<1x1024x768xf32, #tpu.memory_space<vmem>>, vector<1x1024x768xf32>
    %get3A_3 = vector.shape_cast %get3A_2 : vector<1x1024x768xf32> to vector<1024x768xf32>
    %get3A_4 = arith.constant 0 : index
    %get3A_5 = arith.constant 0 : index
    %get3A_6 = vector.load %arg2[%get3A_4, %get3A_5] : memref<384x768xf32, #tpu.memory_space<vmem>>, vector<384x768xf32>
    %dot_general3A = arith.constant dense<0.000000e+00> : vector<1024x384xf32>
    %dot_general3A_7 = tpu.matmul %get3A_3, %get3A_6, %dot_general3A {dimension_numbers = #tpu.dot_dimension_numbers<[1], [1], [0], [0], [0, 0, 1, 0], [], []>, transpose_lhs_hint = false} : vector<1024x768xf32>, vector<384x768xf32>, vector<1024x384xf32> -> vector<1024x384xf32>
    %get3A_8 = arith.constant 0 : index
    %get3A_9 = arith.constant 0 : index
    %get3A_10 = vector.load %arg3[%get3A_8, %get3A_9] : memref<1x384xf32, #tpu.memory_space<vmem>>, vector<1x384xf32>
    %add3A = vector.broadcast %get3A_10 : vector<1x384xf32> to vector<1024x384xf32>
    %add3A_11 = arith.addf %dot_general3A_7, %add3A : vector<1024x384xf32>
    %tanh3A = math.tanh %add3A_11 : vector<1024x384xf32>
    %convert_element_type3A = arith.truncf %tanh3A : vector<1024x384xf32> to vector<1024x384xbf16>
    %get3A_12 = arith.constant 0 : index
    %get3A_13 = arith.constant 0 : index
    %get3A_14 = vector.load %arg4[%get3A_12, %get3A_13] : memref<384x128xbf16, #tpu.memory_space<vmem>>, vector<384x128xbf16>
    %dot_general3A_15 = arith.constant dense<0.000000e+00> : vector<1024x128xf32>
    %dot_general3A_16 = tpu.matmul %convert_element_type3A, %get3A_14, %dot_general3A_15 {dimension_numbers = #tpu.dot_dimension_numbers<[1], [0], [0], [1], [0, 0, 1, 1], [], []>, transpose_lhs_hint = false} : vector<1024x384xbf16>, vector<384x128xbf16>, vector<1024x128xf32> -> vector<1024x128xf32>
    %slice3A = vector.extract_strided_slice %dot_general3A_16 {offsets = [0, 0], sizes = [1024, 1], strides = [1, 1]} : vector<1024x128xf32> to vector<1024x1xf32>
    %squeeze3A = vector.shape_cast %slice3A : vector<1024x1xf32> to vector<1024xf32>
    %swap3A = arith.constant 0 : index
    %swap3A_17 = arith.constant 0 : index
    %swap3A_18 = arith.constant 0 : index
    %swap3A_19 = arith.constant 0 : index
    %swap3A_20 = vector.load %arg5[%swap3A, %swap3A_17, %swap3A_18, %swap3A_19] : memref<1x1x1x1024xf32, #tpu.memory_space<vmem>>, vector<1x1x1x1024xf32>
    %swap3A_21 = vector.shape_cast %swap3A_20 : vector<1x1x1x1024xf32> to vector<1024xf32>
    %swap3A_22 = vector.shape_cast %squeeze3A : vector<1024xf32> to vector<1x1x1x1024xf32>
    tpu.vector_store %arg5[%swap3A, %swap3A_17, %swap3A_18, %swap3A_19], %swap3A_22 {strides = array<i32>} : memref<1x1x1x1024xf32, #tpu.memory_space<vmem>>, vector<1x1x1x1024xf32>,
    %broadcast_in_dim3A = arith.constant 0.000000e+00 : f32
    %broadcast_in_dim3A_23 = vector.broadcast %broadcast_in_dim3A : f32 to vector<1024x768xf32>
    %swap3A_24 = arith.constant 0 : index
    %swap3A_25 = arith.constant 0 : index
    %swap3A_26 = arith.constant 0 : index
    %swap3A_27 = vector.load %arg6[%swap3A_24, %swap3A_25, %swap3A_26] : memref<1x1024x768xf32, #tpu.memory_space<vmem>>, vector<1x1024x768xf32>
    %swap3A_28 = vector.shape_cast %swap3A_27 : vector<1x1024x768xf32> to vector<1024x768xf32>
    %swap3A_29 = vector.shape_cast %broadcast_in_dim3A_23 : vector<1024x768xf32> to vector<1x1024x768xf32>
    tpu.vector_store %arg6[%swap3A_24, %swap3A_25, %swap3A_26], %swap3A_29 {strides = array<i32>} : memref<1x1024x768xf32, #tpu.memory_space<vmem>>, vector<1x1024x768xf32>,
    return
  }
  func.func @transform_0(%arg0: i32) -> (i32, i32, i32) {
    %jit3A = arith.constant 2 : i32
    %div3A = arith.divsi %arg0, %jit3A : i32
    %sign3A = arith.constant 0 : i32
    %sign3A_0 = arith.cmpi sgt, %arg0, %sign3A : i32
    %sign3A_1 = arith.extui %sign3A_0 : i1 to i32
    %sign3A_2 = arith.constant 0 : i32
    %sign3A_3 = arith.cmpi slt, %arg0, %sign3A_2 : i32
    %sign3A_4 = arith.extui %sign3A_3 : i1 to i32
    %sign3A_5 = arith.subi %sign3A_1, %sign3A_4 : i32
    %sign3A_6 = arith.constant 0 : i32
    %sign3A_7 = arith.cmpi sgt, %jit3A, %sign3A_6 : i32
    %sign3A_8 = arith.extui %sign3A_7 : i1 to i32
    %sign3A_9 = arith.constant 0 : i32
    %sign3A_10 = arith.cmpi slt, %jit3A, %sign3A_9 : i32
    %sign3A_11 = arith.extui %sign3A_10 : i1 to i32
    %sign3A_12 = arith.subi %sign3A_8, %sign3A_11 : i32
    %ne3A = arith.cmpi ne, %sign3A_5, %sign3A_12 : i32
    %rem3A = arith.remsi %arg0, %jit3A : i32
    %ne3A_13 = arith.constant 0 : i32
    %ne3A_14 = arith.cmpi ne, %rem3A, %ne3A_13 : i32
    %and3A = arith.andi %ne3A, %ne3A_14 : i1
    %sub3A = arith.constant 1 : i32
    %sub3A_15 = arith.subi %div3A, %sub3A : i32
    %select_n3A = arith.select %and3A, %sub3A_15, %div3A : i32
    %jit3A_16 = arith.constant 2 : i32
    %eq3A = arith.constant 0 : i32
    %eq3A_17 = arith.cmpi eq, %jit3A_16, %eq3A : i32
    %jit3A_18 = arith.constant 1 : i32
    %select_n3A_19 = arith.select %eq3A_17, %jit3A_18, %jit3A_16 : i32
    %rem3A_20 = arith.remsi %arg0, %select_n3A_19 : i32
    %ne3A_21 = arith.constant 0 : i32
    %ne3A_22 = arith.cmpi ne, %rem3A_20, %ne3A_21 : i32
    %lt3A = arith.constant 0 : i32
    %lt3A_23 = arith.cmpi slt, %rem3A_20, %lt3A : i32
    %lt3A_24 = arith.constant 0 : i32
    %lt3A_25 = arith.cmpi slt, %select_n3A_19, %lt3A_24 : i32
    %ne3A_26 = arith.xori %lt3A_23, %lt3A_25 : i1
    %and3A_27 = arith.andi %ne3A_26, %ne3A_22 : i1
    %add3A = arith.addi %rem3A_20, %select_n3A_19 : i32
    %select_n3A_28 = arith.select %and3A_27, %add3A, %rem3A_20 : i32
    %c0_i32 = arith.constant 0 : i32
    %c0_i32_29 = arith.constant 0 : i32
    return %select_n3A, %select_n3A_28, %c0_i32 : i32, i32, i32
  }
  func.func @transform_1(%arg0: i32) -> (i32, i32) {
    %c0_i32 = arith.constant 0 : i32
    %c0_i32_0 = arith.constant 0 : i32
    %c0_i32_1 = arith.constant 0 : i32
    return %c0_i32, %c0_i32_0 : i32, i32
  }
  func.func @transform_2(%arg0: i32) -> (i32, i32) {
    %c0_i32 = arith.constant 0 : i32
    %c0_i32_0 = arith.constant 0 : i32
    %c0_i32_1 = arith.constant 0 : i32
    return %c0_i32, %c0_i32_0 : i32, i32
  }
  func.func @transform_3(%arg0: i32) -> (i32, i32) {
    %c0_i32 = arith.constant 0 : i32
    %c0_i32_0 = arith.constant 0 : i32
    %c0_i32_1 = arith.constant 0 : i32
    return %c0_i32, %c0_i32_0 : i32, i32
  }
  func.func @transform_4(%arg0: i32) -> (i32, i32, i32, i32) {
    %jit3A = arith.constant 2 : i32
    %div3A = arith.divsi %arg0, %jit3A : i32
    %sign3A = arith.constant 0 : i32
    %sign3A_0 = arith.cmpi sgt, %arg0, %sign3A : i32
    %sign3A_1 = arith.extui %sign3A_0 : i1 to i32
    %sign3A_2 = arith.constant 0 : i32
    %sign3A_3 = arith.cmpi slt, %arg0, %sign3A_2 : i32
    %sign3A_4 = arith.extui %sign3A_3 : i1 to i32
    %sign3A_5 = arith.subi %sign3A_1, %sign3A_4 : i32
    %sign3A_6 = arith.constant 0 : i32
    %sign3A_7 = arith.cmpi sgt, %jit3A, %sign3A_6 : i32
    %sign3A_8 = arith.extui %sign3A_7 : i1 to i32
    %sign3A_9 = arith.constant 0 : i32
    %sign3A_10 = arith.cmpi slt, %jit3A, %sign3A_9 : i32
    %sign3A_11 = arith.extui %sign3A_10 : i1 to i32
    %sign3A_12 = arith.subi %sign3A_8, %sign3A_11 : i32
    %ne3A = arith.cmpi ne, %sign3A_5, %sign3A_12 : i32
    %rem3A = arith.remsi %arg0, %jit3A : i32
    %ne3A_13 = arith.constant 0 : i32
    %ne3A_14 = arith.cmpi ne, %rem3A, %ne3A_13 : i32
    %and3A = arith.andi %ne3A, %ne3A_14 : i1
    %sub3A = arith.constant 1 : i32
    %sub3A_15 = arith.subi %div3A, %sub3A : i32
    %select_n3A = arith.select %and3A, %sub3A_15, %div3A : i32
    %jit3A_16 = arith.constant 2 : i32
    %eq3A = arith.constant 0 : i32
    %eq3A_17 = arith.cmpi eq, %jit3A_16, %eq3A : i32
    %jit3A_18 = arith.constant 1 : i32
    %select_n3A_19 = arith.select %eq3A_17, %jit3A_18, %jit3A_16 : i32
    %rem3A_20 = arith.remsi %arg0, %select_n3A_19 : i32
    %ne3A_21 = arith.constant 0 : i32
    %ne3A_22 = arith.cmpi ne, %rem3A_20, %ne3A_21 : i32
    %lt3A = arith.constant 0 : i32
    %lt3A_23 = arith.cmpi slt, %rem3A_20, %lt3A : i32
    %lt3A_24 = arith.constant 0 : i32
    %lt3A_25 = arith.cmpi slt, %select_n3A_19, %lt3A_24 : i32
    %ne3A_26 = arith.xori %lt3A_23, %lt3A_25 : i1
    %and3A_27 = arith.andi %ne3A_26, %ne3A_22 : i1
    %add3A = arith.addi %rem3A_20, %select_n3A_19 : i32
    %select_n3A_28 = arith.select %and3A_27, %add3A, %rem3A_20 : i32
    %c0_i32 = arith.constant 0 : i32
    %c0_i32_29 = arith.constant 0 : i32
    %c0_i32_30 = arith.constant 0 : i32
    return %select_n3A, %select_n3A_28, %c0_i32, %c0_i32_29 : i32, i32, i32, i32
  }
  func.func @transform_5(%arg0: i32) -> (i32, i32, i32) {
    %jit3A = arith.constant 2 : i32
    %div3A = arith.divsi %arg0, %jit3A : i32
    %sign3A = arith.constant 0 : i32
    %sign3A_0 = arith.cmpi sgt, %arg0, %sign3A : i32
    %sign3A_1 = arith.extui %sign3A_0 : i1 to i32
    %sign3A_2 = arith.constant 0 : i32
    %sign3A_3 = arith.cmpi slt, %arg0, %sign3A_2 : i32
    %sign3A_4 = arith.extui %sign3A_3 : i1 to i32
    %sign3A_5 = arith.subi %sign3A_1, %sign3A_4 : i32
    %sign3A_6 = arith.constant 0 : i32
    %sign3A_7 = arith.cmpi sgt, %jit3A, %sign3A_6 : i32
    %sign3A_8 = arith.extui %sign3A_7 : i1 to i32
    %sign3A_9 = arith.constant 0 : i32
    %sign3A_10 = arith.cmpi slt, %jit3A, %sign3A_9 : i32
    %sign3A_11 = arith.extui %sign3A_10 : i1 to i32
    %sign3A_12 = arith.subi %sign3A_8, %sign3A_11 : i32
    %ne3A = arith.cmpi ne, %sign3A_5, %sign3A_12 : i32
    %rem3A = arith.remsi %arg0, %jit3A : i32
    %ne3A_13 = arith.constant 0 : i32
    %ne3A_14 = arith.cmpi ne, %rem3A, %ne3A_13 : i32
    %and3A = arith.andi %ne3A, %ne3A_14 : i1
    %sub3A = arith.constant 1 : i32
    %sub3A_15 = arith.subi %div3A, %sub3A : i32
    %select_n3A = arith.select %and3A, %sub3A_15, %div3A : i32
    %jit3A_16 = arith.constant 2 : i32
    %eq3A = arith.constant 0 : i32
    %eq3A_17 = arith.cmpi eq, %jit3A_16, %eq3A : i32
    %jit3A_18 = arith.constant 1 : i32
    %select_n3A_19 = arith.select %eq3A_17, %jit3A_18, %jit3A_16 : i32
    %rem3A_20 = arith.remsi %arg0, %select_n3A_19 : i32
    %ne3A_21 = arith.constant 0 : i32
    %ne3A_22 = arith.cmpi ne, %rem3A_20, %ne3A_21 : i32
    %lt3A = arith.constant 0 : i32
    %lt3A_23 = arith.cmpi slt, %rem3A_20, %lt3A : i32
    %lt3A_24 = arith.constant 0 : i32
    %lt3A_25 = arith.cmpi slt, %select_n3A_19, %lt3A_24 : i32
    %ne3A_26 = arith.xori %lt3A_23, %lt3A_25 : i1
    %and3A_27 = arith.andi %ne3A_26, %ne3A_22 : i1
    %add3A = arith.addi %rem3A_20, %select_n3A_19 : i32
    %select_n3A_28 = arith.select %and3A_27, %add3A, %rem3A_20 : i32
    %c0_i32 = arith.constant 0 : i32
    %c0_i32_29 = arith.constant 0 : i32
    return %select_n3A, %select_n3A_28, %c0_i32 : i32, i32, i32
  }
}

module attributes {stable_mosaic.version = 14 : i64} {
  func.func @_topk_body(%arg0: memref<32x2048xf32, #tpu.memory_space<vmem>>, %arg1: memref<1x1xf32, #tpu.memory_space<vmem>>, %arg2: memref<32x2048xf32, #tpu.memory_space<vmem>>, %arg3: memref<32x2048xf32, #tpu.memory_space<vmem>>, %arg4: memref<32x64xi32, #tpu.memory_space<vmem>>, %arg5: memref<32x2048xi32, #tpu.memory_space<vmem>>) attributes {dimension_semantics = [], scalar_prefetch = 0 : i64, scratch_operands = 0 : i64, tpu.core_type = #tpu.core_type<tc>} {
    %get3A = arith.constant 0 : index
    %get3A_0 = arith.constant 0 : index
    %get3A_1 = vector.load %arg0[%get3A, %get3A_0] : memref<32x2048xf32, #tpu.memory_space<vmem>>, vector<32x2048xf32>
    %get3A_2 = arith.constant 0 : index
    %get3A_3 = arith.constant 0 : index
    %get3A_4 = vector.load %arg1[%get3A_2, %get3A_3] : memref<1x1xf32, #tpu.memory_space<vmem>>, vector<1x1xf32>
    %add3A = vector.broadcast %get3A_4 : vector<1x1xf32> to vector<32x2048xf32>
    %add3A_5 = arith.addf %get3A_1, %add3A : vector<32x2048xf32>
    %get3A_6 = arith.constant 0 : index
    %get3A_7 = arith.constant 0 : index
    %get3A_8 = vector.load %arg2[%get3A_6, %get3A_7] : memref<32x2048xf32, #tpu.memory_space<vmem>>, vector<32x2048xf32>
    %add3A_9 = arith.addf %add3A_5, %get3A_8 : vector<32x2048xf32>
    %get3A_10 = arith.constant 0 : index
    %get3A_11 = arith.constant 0 : index
    %get3A_12 = vector.load %arg3[%get3A_10, %get3A_11] : memref<32x2048xf32, #tpu.memory_space<vmem>>, vector<32x2048xf32>
    %add3A_13 = arith.addf %add3A_9, %get3A_12 : vector<32x2048xf32>
    %div3A = arith.constant 1.000000e-01 : f32
    %div3A_14 = vector.broadcast %div3A : f32 to vector<32x2048xf32>
    %div3A_15 = arith.divf %add3A_13, %div3A_14 : vector<32x2048xf32>
    %reduce_max3A = arith.constant dense<0xFF800000> : vector<32xf32>
    %reduce_max3A_16 = vector.multi_reduction <maximumf>, %div3A_15, %reduce_max3A [1] : vector<32x2048xf32> to vector<32xf32>
    %broadcast_in_dim3A = vector.shape_cast %reduce_max3A_16 : vector<32xf32> to vector<32x1xf32>
    %sub3A = vector.broadcast %broadcast_in_dim3A : vector<32x1xf32> to vector<32x2048xf32>
    %sub3A_17 = arith.subf %div3A_15, %sub3A : vector<32x2048xf32>
    %exp3A = math.exp %sub3A_17 : vector<32x2048xf32>
    %reduce_sum3A = arith.constant dense<0.000000e+00> : vector<32xf32>
    %reduce_sum3A_18 = vector.multi_reduction <add>, %exp3A, %reduce_sum3A [1] : vector<32x2048xf32> to vector<32xf32>
    %broadcast_in_dim3A_19 = vector.shape_cast %reduce_sum3A_18 : vector<32xf32> to vector<32x1xf32>
    %div3A_20 = vector.broadcast %broadcast_in_dim3A_19 : vector<32x1xf32> to vector<32x2048xf32>
    %div3A_21 = arith.divf %exp3A, %div3A_20 : vector<32x2048xf32>
    %iota3A = tpu.iota {dimensions = array<i32: 1>} : vector<32x2048xi32>
    %eq3A = arith.constant 0 : i32
    %eq3A_22 = vector.broadcast %eq3A : i32 to vector<32x2048xi32>
    %eq3A_23 = arith.cmpi eq, %iota3A, %eq3A_22 : vector<32x2048xi32>
    %jit3A = arith.constant 1.000000e+04 : f32
    %jit3A_24 = arith.constant 0.000000e+00 : f32
    %broadcast_in_dim3A_25 = vector.broadcast %jit3A : f32 to vector<32x2048xf32>
    %broadcast_in_dim3A_26 = vector.broadcast %jit3A_24 : f32 to vector<32x2048xf32>
    %select_n3A = arith.select %eq3A_23, %broadcast_in_dim3A_25, %broadcast_in_dim3A_26 : vector<32x2048xi1>, vector<32x2048xf32>
    %add3A_27 = arith.addf %div3A_21, %select_n3A : vector<32x2048xf32>
    %broadcast_in_dim3A_28 = arith.constant 0 : i32
    %broadcast_in_dim3A_29 = vector.broadcast %broadcast_in_dim3A_28 : i32 to vector<32x2048xi32>
    %reduce_max3A_30 = arith.constant dense<0xFF800000> : vector<32xf32>
    %reduce_max3A_31 = vector.multi_reduction <maximumf>, %add3A_27, %reduce_max3A_30 [1] : vector<32x2048xf32> to vector<32xf32>
    %broadcast_in_dim3A_32 = vector.shape_cast %reduce_max3A_31 : vector<32xf32> to vector<32x1xf32>
    %eq3A_33 = vector.broadcast %broadcast_in_dim3A_32 : vector<32x1xf32> to vector<32x2048xf32>
    %eq3A_34 = arith.cmpf oeq, %add3A_27, %eq3A_33 : vector<32x2048xf32>
    %jit3A_35 = arith.constant 2048 : i32
    %broadcast_in_dim3A_36 = vector.broadcast %jit3A_35 : i32 to vector<32x2048xi32>
    %select_n3A_37 = arith.select %eq3A_34, %iota3A, %broadcast_in_dim3A_36 : vector<32x2048xi1>, vector<32x2048xi32>
    %reduce_min3A = arith.constant dense<2147483647> : vector<32xi32>
    %reduce_min3A_38 = vector.multi_reduction <minsi>, %select_n3A_37, %reduce_min3A [1] : vector<32x2048xi32> to vector<32xi32>
    %broadcast_in_dim3A_39 = vector.shape_cast %reduce_min3A_38 : vector<32xi32> to vector<32x1xi32>
    %eq3A_40 = vector.broadcast %broadcast_in_dim3A_39 : vector<32x1xi32> to vector<32x2048xi32>
    %eq3A_41 = arith.cmpi eq, %iota3A, %eq3A_40 : vector<32x2048xi32>
    %convert_element_type3A = arith.extui %eq3A_41 : vector<32x2048xi1> to vector<32x2048xi32>
    %or3A = arith.ori %broadcast_in_dim3A_29, %convert_element_type3A : vector<32x2048xi32>
    %jit3A_42 = arith.constant -1.000000e+00 : f32
    %broadcast_in_dim3A_43 = vector.broadcast %jit3A_42 : f32 to vector<32x2048xf32>
    %select_n3A_44 = arith.select %eq3A_41, %broadcast_in_dim3A_43, %add3A_27 : vector<32x2048xi1>, vector<32x2048xf32>
    %reduce_max3A_45 = arith.constant dense<0xFF800000> : vector<32xf32>
    %reduce_max3A_46 = vector.multi_reduction <maximumf>, %select_n3A_44, %reduce_max3A_45 [1] : vector<32x2048xf32> to vector<32xf32>
    %broadcast_in_dim3A_47 = vector.shape_cast %reduce_max3A_46 : vector<32xf32> to vector<32x1xf32>
    %eq3A_48 = vector.broadcast %broadcast_in_dim3A_47 : vector<32x1xf32> to vector<32x2048xf32>
    %eq3A_49 = arith.cmpf oeq, %select_n3A_44, %eq3A_48 : vector<32x2048xf32>
    %jit3A_50 = arith.constant 2048 : i32
    %broadcast_in_dim3A_51 = vector.broadcast %jit3A_50 : i32 to vector<32x2048xi32>
    %select_n3A_52 = arith.select %eq3A_49, %iota3A, %broadcast_in_dim3A_51 : vector<32x2048xi1>, vector<32x2048xi32>
    %reduce_min3A_53 = arith.constant dense<2147483647> : vector<32xi32>
    %reduce_min3A_54 = vector.multi_reduction <minsi>, %select_n3A_52, %reduce_min3A_53 [1] : vector<32x2048xi32> to vector<32xi32>
    %broadcast_in_dim3A_55 = vector.shape_cast %reduce_min3A_54 : vector<32xi32> to vector<32x1xi32>
    %eq3A_56 = vector.broadcast %broadcast_in_dim3A_55 : vector<32x1xi32> to vector<32x2048xi32>
    %eq3A_57 = arith.cmpi eq, %iota3A, %eq3A_56 : vector<32x2048xi32>
    %convert_element_type3A_58 = arith.extui %eq3A_57 : vector<32x2048xi1> to vector<32x2048xi32>
    %or3A_59 = arith.ori %or3A, %convert_element_type3A_58 : vector<32x2048xi32>
    %jit3A_60 = arith.constant -1.000000e+00 : f32
    %broadcast_in_dim3A_61 = vector.broadcast %jit3A_60 : f32 to vector<32x2048xf32>
    %select_n3A_62 = arith.select %eq3A_57, %broadcast_in_dim3A_61, %select_n3A_44 : vector<32x2048xi1>, vector<32x2048xf32>
    %reduce_max3A_63 = arith.constant dense<0xFF800000> : vector<32xf32>
    %reduce_max3A_64 = vector.multi_reduction <maximumf>, %select_n3A_62, %reduce_max3A_63 [1] : vector<32x2048xf32> to vector<32xf32>
    %broadcast_in_dim3A_65 = vector.shape_cast %reduce_max3A_64 : vector<32xf32> to vector<32x1xf32>
    %eq3A_66 = vector.broadcast %broadcast_in_dim3A_65 : vector<32x1xf32> to vector<32x2048xf32>
    %eq3A_67 = arith.cmpf oeq, %select_n3A_62, %eq3A_66 : vector<32x2048xf32>
    %jit3A_68 = arith.constant 2048 : i32
    %broadcast_in_dim3A_69 = vector.broadcast %jit3A_68 : i32 to vector<32x2048xi32>
    %select_n3A_70 = arith.select %eq3A_67, %iota3A, %broadcast_in_dim3A_69 : vector<32x2048xi1>, vector<32x2048xi32>
    %reduce_min3A_71 = arith.constant dense<2147483647> : vector<32xi32>
    %reduce_min3A_72 = vector.multi_reduction <minsi>, %select_n3A_70, %reduce_min3A_71 [1] : vector<32x2048xi32> to vector<32xi32>
    %broadcast_in_dim3A_73 = vector.shape_cast %reduce_min3A_72 : vector<32xi32> to vector<32x1xi32>
    %eq3A_74 = vector.broadcast %broadcast_in_dim3A_73 : vector<32x1xi32> to vector<32x2048xi32>
    %eq3A_75 = arith.cmpi eq, %iota3A, %eq3A_74 : vector<32x2048xi32>
    %convert_element_type3A_76 = arith.extui %eq3A_75 : vector<32x2048xi1> to vector<32x2048xi32>
    %or3A_77 = arith.ori %or3A_59, %convert_element_type3A_76 : vector<32x2048xi32>
    %jit3A_78 = arith.constant -1.000000e+00 : f32
    %broadcast_in_dim3A_79 = vector.broadcast %jit3A_78 : f32 to vector<32x2048xf32>
    %select_n3A_80 = arith.select %eq3A_75, %broadcast_in_dim3A_79, %select_n3A_62 : vector<32x2048xi1>, vector<32x2048xf32>
    %reduce_max3A_81 = arith.constant dense<0xFF800000> : vector<32xf32>
    %reduce_max3A_82 = vector.multi_reduction <maximumf>, %select_n3A_80, %reduce_max3A_81 [1] : vector<32x2048xf32> to vector<32xf32>
    %broadcast_in_dim3A_83 = vector.shape_cast %reduce_max3A_82 : vector<32xf32> to vector<32x1xf32>
    %eq3A_84 = vector.broadcast %broadcast_in_dim3A_83 : vector<32x1xf32> to vector<32x2048xf32>
    %eq3A_85 = arith.cmpf oeq, %select_n3A_80, %eq3A_84 : vector<32x2048xf32>
    %jit3A_86 = arith.constant 2048 : i32
    %broadcast_in_dim3A_87 = vector.broadcast %jit3A_86 : i32 to vector<32x2048xi32>
    %select_n3A_88 = arith.select %eq3A_85, %iota3A, %broadcast_in_dim3A_87 : vector<32x2048xi1>, vector<32x2048xi32>
    %reduce_min3A_89 = arith.constant dense<2147483647> : vector<32xi32>
    %reduce_min3A_90 = vector.multi_reduction <minsi>, %select_n3A_88, %reduce_min3A_89 [1] : vector<32x2048xi32> to vector<32xi32>
    %broadcast_in_dim3A_91 = vector.shape_cast %reduce_min3A_90 : vector<32xi32> to vector<32x1xi32>
    %eq3A_92 = vector.broadcast %broadcast_in_dim3A_91 : vector<32x1xi32> to vector<32x2048xi32>
    %eq3A_93 = arith.cmpi eq, %iota3A, %eq3A_92 : vector<32x2048xi32>
    %convert_element_type3A_94 = arith.extui %eq3A_93 : vector<32x2048xi1> to vector<32x2048xi32>
    %or3A_95 = arith.ori %or3A_77, %convert_element_type3A_94 : vector<32x2048xi32>
    %jit3A_96 = arith.constant -1.000000e+00 : f32
    %broadcast_in_dim3A_97 = vector.broadcast %jit3A_96 : f32 to vector<32x2048xf32>
    %select_n3A_98 = arith.select %eq3A_93, %broadcast_in_dim3A_97, %select_n3A_80 : vector<32x2048xi1>, vector<32x2048xf32>
    %reduce_max3A_99 = arith.constant dense<0xFF800000> : vector<32xf32>
    %reduce_max3A_100 = vector.multi_reduction <maximumf>, %select_n3A_98, %reduce_max3A_99 [1] : vector<32x2048xf32> to vector<32xf32>
    %broadcast_in_dim3A_101 = vector.shape_cast %reduce_max3A_100 : vector<32xf32> to vector<32x1xf32>
    %eq3A_102 = vector.broadcast %broadcast_in_dim3A_101 : vector<32x1xf32> to vector<32x2048xf32>
    %eq3A_103 = arith.cmpf oeq, %select_n3A_98, %eq3A_102 : vector<32x2048xf32>
    %jit3A_104 = arith.constant 2048 : i32
    %broadcast_in_dim3A_105 = vector.broadcast %jit3A_104 : i32 to vector<32x2048xi32>
    %select_n3A_106 = arith.select %eq3A_103, %iota3A, %broadcast_in_dim3A_105 : vector<32x2048xi1>, vector<32x2048xi32>
    %reduce_min3A_107 = arith.constant dense<2147483647> : vector<32xi32>
    %reduce_min3A_108 = vector.multi_reduction <minsi>, %select_n3A_106, %reduce_min3A_107 [1] : vector<32x2048xi32> to vector<32xi32>
    %broadcast_in_dim3A_109 = vector.shape_cast %reduce_min3A_108 : vector<32xi32> to vector<32x1xi32>
    %eq3A_110 = vector.broadcast %broadcast_in_dim3A_109 : vector<32x1xi32> to vector<32x2048xi32>
    %eq3A_111 = arith.cmpi eq, %iota3A, %eq3A_110 : vector<32x2048xi32>
    %convert_element_type3A_112 = arith.extui %eq3A_111 : vector<32x2048xi1> to vector<32x2048xi32>
    %or3A_113 = arith.ori %or3A_95, %convert_element_type3A_112 : vector<32x2048xi32>
    %jit3A_114 = arith.constant -1.000000e+00 : f32
    %broadcast_in_dim3A_115 = vector.broadcast %jit3A_114 : f32 to vector<32x2048xf32>
    %select_n3A_116 = arith.select %eq3A_111, %broadcast_in_dim3A_115, %select_n3A_98 : vector<32x2048xi1>, vector<32x2048xf32>
    %reduce_max3A_117 = arith.constant dense<0xFF800000> : vector<32xf32>
    %reduce_max3A_118 = vector.multi_reduction <maximumf>, %select_n3A_116, %reduce_max3A_117 [1] : vector<32x2048xf32> to vector<32xf32>
    %broadcast_in_dim3A_119 = vector.shape_cast %reduce_max3A_118 : vector<32xf32> to vector<32x1xf32>
    %eq3A_120 = vector.broadcast %broadcast_in_dim3A_119 : vector<32x1xf32> to vector<32x2048xf32>
    %eq3A_121 = arith.cmpf oeq, %select_n3A_116, %eq3A_120 : vector<32x2048xf32>
    %jit3A_122 = arith.constant 2048 : i32
    %broadcast_in_dim3A_123 = vector.broadcast %jit3A_122 : i32 to vector<32x2048xi32>
    %select_n3A_124 = arith.select %eq3A_121, %iota3A, %broadcast_in_dim3A_123 : vector<32x2048xi1>, vector<32x2048xi32>
    %reduce_min3A_125 = arith.constant dense<2147483647> : vector<32xi32>
    %reduce_min3A_126 = vector.multi_reduction <minsi>, %select_n3A_124, %reduce_min3A_125 [1] : vector<32x2048xi32> to vector<32xi32>
    %broadcast_in_dim3A_127 = vector.shape_cast %reduce_min3A_126 : vector<32xi32> to vector<32x1xi32>
    %eq3A_128 = vector.broadcast %broadcast_in_dim3A_127 : vector<32x1xi32> to vector<32x2048xi32>
    %eq3A_129 = arith.cmpi eq, %iota3A, %eq3A_128 : vector<32x2048xi32>
    %convert_element_type3A_130 = arith.extui %eq3A_129 : vector<32x2048xi1> to vector<32x2048xi32>
    %or3A_131 = arith.ori %or3A_113, %convert_element_type3A_130 : vector<32x2048xi32>
    %jit3A_132 = arith.constant -1.000000e+00 : f32
    %broadcast_in_dim3A_133 = vector.broadcast %jit3A_132 : f32 to vector<32x2048xf32>
    %select_n3A_134 = arith.select %eq3A_129, %broadcast_in_dim3A_133, %select_n3A_116 : vector<32x2048xi1>, vector<32x2048xf32>
    %reduce_max3A_135 = arith.constant dense<0xFF800000> : vector<32xf32>
    %reduce_max3A_136 = vector.multi_reduction <maximumf>, %select_n3A_134, %reduce_max3A_135 [1] : vector<32x2048xf32> to vector<32xf32>
    %broadcast_in_dim3A_137 = vector.shape_cast %reduce_max3A_136 : vector<32xf32> to vector<32x1xf32>
    %eq3A_138 = vector.broadcast %broadcast_in_dim3A_137 : vector<32x1xf32> to vector<32x2048xf32>
    %eq3A_139 = arith.cmpf oeq, %select_n3A_134, %eq3A_138 : vector<32x2048xf32>
    %jit3A_140 = arith.constant 2048 : i32
    %broadcast_in_dim3A_141 = vector.broadcast %jit3A_140 : i32 to vector<32x2048xi32>
    %select_n3A_142 = arith.select %eq3A_139, %iota3A, %broadcast_in_dim3A_141 : vector<32x2048xi1>, vector<32x2048xi32>
    %reduce_min3A_143 = arith.constant dense<2147483647> : vector<32xi32>
    %reduce_min3A_144 = vector.multi_reduction <minsi>, %select_n3A_142, %reduce_min3A_143 [1] : vector<32x2048xi32> to vector<32xi32>
    %broadcast_in_dim3A_145 = vector.shape_cast %reduce_min3A_144 : vector<32xi32> to vector<32x1xi32>
    %eq3A_146 = vector.broadcast %broadcast_in_dim3A_145 : vector<32x1xi32> to vector<32x2048xi32>
    %eq3A_147 = arith.cmpi eq, %iota3A, %eq3A_146 : vector<32x2048xi32>
    %convert_element_type3A_148 = arith.extui %eq3A_147 : vector<32x2048xi1> to vector<32x2048xi32>
    %or3A_149 = arith.ori %or3A_131, %convert_element_type3A_148 : vector<32x2048xi32>
    %jit3A_150 = arith.constant -1.000000e+00 : f32
    %broadcast_in_dim3A_151 = vector.broadcast %jit3A_150 : f32 to vector<32x2048xf32>
    %select_n3A_152 = arith.select %eq3A_147, %broadcast_in_dim3A_151, %select_n3A_134 : vector<32x2048xi1>, vector<32x2048xf32>
    %reduce_max3A_153 = arith.constant dense<0xFF800000> : vector<32xf32>
    %reduce_max3A_154 = vector.multi_reduction <maximumf>, %select_n3A_152, %reduce_max3A_153 [1] : vector<32x2048xf32> to vector<32xf32>
    %broadcast_in_dim3A_155 = vector.shape_cast %reduce_max3A_154 : vector<32xf32> to vector<32x1xf32>
    %eq3A_156 = vector.broadcast %broadcast_in_dim3A_155 : vector<32x1xf32> to vector<32x2048xf32>
    %eq3A_157 = arith.cmpf oeq, %select_n3A_152, %eq3A_156 : vector<32x2048xf32>
    %jit3A_158 = arith.constant 2048 : i32
    %broadcast_in_dim3A_159 = vector.broadcast %jit3A_158 : i32 to vector<32x2048xi32>
    %select_n3A_160 = arith.select %eq3A_157, %iota3A, %broadcast_in_dim3A_159 : vector<32x2048xi1>, vector<32x2048xi32>
    %reduce_min3A_161 = arith.constant dense<2147483647> : vector<32xi32>
    %reduce_min3A_162 = vector.multi_reduction <minsi>, %select_n3A_160, %reduce_min3A_161 [1] : vector<32x2048xi32> to vector<32xi32>
    %broadcast_in_dim3A_163 = vector.shape_cast %reduce_min3A_162 : vector<32xi32> to vector<32x1xi32>
    %eq3A_164 = vector.broadcast %broadcast_in_dim3A_163 : vector<32x1xi32> to vector<32x2048xi32>
    %eq3A_165 = arith.cmpi eq, %iota3A, %eq3A_164 : vector<32x2048xi32>
    %convert_element_type3A_166 = arith.extui %eq3A_165 : vector<32x2048xi1> to vector<32x2048xi32>
    %or3A_167 = arith.ori %or3A_149, %convert_element_type3A_166 : vector<32x2048xi32>
    %jit3A_168 = arith.constant -1.000000e+00 : f32
    %broadcast_in_dim3A_169 = vector.broadcast %jit3A_168 : f32 to vector<32x2048xf32>
    %select_n3A_170 = arith.select %eq3A_165, %broadcast_in_dim3A_169, %select_n3A_152 : vector<32x2048xi1>, vector<32x2048xf32>
    %reduce_max3A_171 = arith.constant dense<0xFF800000> : vector<32xf32>
    %reduce_max3A_172 = vector.multi_reduction <maximumf>, %select_n3A_170, %reduce_max3A_171 [1] : vector<32x2048xf32> to vector<32xf32>
    %broadcast_in_dim3A_173 = vector.shape_cast %reduce_max3A_172 : vector<32xf32> to vector<32x1xf32>
    %eq3A_174 = vector.broadcast %broadcast_in_dim3A_173 : vector<32x1xf32> to vector<32x2048xf32>
    %eq3A_175 = arith.cmpf oeq, %select_n3A_170, %eq3A_174 : vector<32x2048xf32>
    %jit3A_176 = arith.constant 2048 : i32
    %broadcast_in_dim3A_177 = vector.broadcast %jit3A_176 : i32 to vector<32x2048xi32>
    %select_n3A_178 = arith.select %eq3A_175, %iota3A, %broadcast_in_dim3A_177 : vector<32x2048xi1>, vector<32x2048xi32>
    %reduce_min3A_179 = arith.constant dense<2147483647> : vector<32xi32>
    %reduce_min3A_180 = vector.multi_reduction <minsi>, %select_n3A_178, %reduce_min3A_179 [1] : vector<32x2048xi32> to vector<32xi32>
    %broadcast_in_dim3A_181 = vector.shape_cast %reduce_min3A_180 : vector<32xi32> to vector<32x1xi32>
    %eq3A_182 = vector.broadcast %broadcast_in_dim3A_181 : vector<32x1xi32> to vector<32x2048xi32>
    %eq3A_183 = arith.cmpi eq, %iota3A, %eq3A_182 : vector<32x2048xi32>
    %convert_element_type3A_184 = arith.extui %eq3A_183 : vector<32x2048xi1> to vector<32x2048xi32>
    %or3A_185 = arith.ori %or3A_167, %convert_element_type3A_184 : vector<32x2048xi32>
    %jit3A_186 = arith.constant -1.000000e+00 : f32
    %broadcast_in_dim3A_187 = vector.broadcast %jit3A_186 : f32 to vector<32x2048xf32>
    %select_n3A_188 = arith.select %eq3A_183, %broadcast_in_dim3A_187, %select_n3A_170 : vector<32x2048xi1>, vector<32x2048xf32>
    %reduce_max3A_189 = arith.constant dense<0xFF800000> : vector<32xf32>
    %reduce_max3A_190 = vector.multi_reduction <maximumf>, %select_n3A_188, %reduce_max3A_189 [1] : vector<32x2048xf32> to vector<32xf32>
    %broadcast_in_dim3A_191 = vector.shape_cast %reduce_max3A_190 : vector<32xf32> to vector<32x1xf32>
    %eq3A_192 = vector.broadcast %broadcast_in_dim3A_191 : vector<32x1xf32> to vector<32x2048xf32>
    %eq3A_193 = arith.cmpf oeq, %select_n3A_188, %eq3A_192 : vector<32x2048xf32>
    %jit3A_194 = arith.constant 2048 : i32
    %broadcast_in_dim3A_195 = vector.broadcast %jit3A_194 : i32 to vector<32x2048xi32>
    %select_n3A_196 = arith.select %eq3A_193, %iota3A, %broadcast_in_dim3A_195 : vector<32x2048xi1>, vector<32x2048xi32>
    %reduce_min3A_197 = arith.constant dense<2147483647> : vector<32xi32>
    %reduce_min3A_198 = vector.multi_reduction <minsi>, %select_n3A_196, %reduce_min3A_197 [1] : vector<32x2048xi32> to vector<32xi32>
    %broadcast_in_dim3A_199 = vector.shape_cast %reduce_min3A_198 : vector<32xi32> to vector<32x1xi32>
    %eq3A_200 = vector.broadcast %broadcast_in_dim3A_199 : vector<32x1xi32> to vector<32x2048xi32>
    %eq3A_201 = arith.cmpi eq, %iota3A, %eq3A_200 : vector<32x2048xi32>
    %convert_element_type3A_202 = arith.extui %eq3A_201 : vector<32x2048xi1> to vector<32x2048xi32>
    %or3A_203 = arith.ori %or3A_185, %convert_element_type3A_202 : vector<32x2048xi32>
    %jit3A_204 = arith.constant -1.000000e+00 : f32
    %broadcast_in_dim3A_205 = vector.broadcast %jit3A_204 : f32 to vector<32x2048xf32>
    %select_n3A_206 = arith.select %eq3A_201, %broadcast_in_dim3A_205, %select_n3A_188 : vector<32x2048xi1>, vector<32x2048xf32>
    %reduce_max3A_207 = arith.constant dense<0xFF800000> : vector<32xf32>
    %reduce_max3A_208 = vector.multi_reduction <maximumf>, %select_n3A_206, %reduce_max3A_207 [1] : vector<32x2048xf32> to vector<32xf32>
    %broadcast_in_dim3A_209 = vector.shape_cast %reduce_max3A_208 : vector<32xf32> to vector<32x1xf32>
    %eq3A_210 = vector.broadcast %broadcast_in_dim3A_209 : vector<32x1xf32> to vector<32x2048xf32>
    %eq3A_211 = arith.cmpf oeq, %select_n3A_206, %eq3A_210 : vector<32x2048xf32>
    %jit3A_212 = arith.constant 2048 : i32
    %broadcast_in_dim3A_213 = vector.broadcast %jit3A_212 : i32 to vector<32x2048xi32>
    %select_n3A_214 = arith.select %eq3A_211, %iota3A, %broadcast_in_dim3A_213 : vector<32x2048xi1>, vector<32x2048xi32>
    %reduce_min3A_215 = arith.constant dense<2147483647> : vector<32xi32>
    %reduce_min3A_216 = vector.multi_reduction <minsi>, %select_n3A_214, %reduce_min3A_215 [1] : vector<32x2048xi32> to vector<32xi32>
    %broadcast_in_dim3A_217 = vector.shape_cast %reduce_min3A_216 : vector<32xi32> to vector<32x1xi32>
    %eq3A_218 = vector.broadcast %broadcast_in_dim3A_217 : vector<32x1xi32> to vector<32x2048xi32>
    %eq3A_219 = arith.cmpi eq, %iota3A, %eq3A_218 : vector<32x2048xi32>
    %convert_element_type3A_220 = arith.extui %eq3A_219 : vector<32x2048xi1> to vector<32x2048xi32>
    %or3A_221 = arith.ori %or3A_203, %convert_element_type3A_220 : vector<32x2048xi32>
    %jit3A_222 = arith.constant -1.000000e+00 : f32
    %broadcast_in_dim3A_223 = vector.broadcast %jit3A_222 : f32 to vector<32x2048xf32>
    %select_n3A_224 = arith.select %eq3A_219, %broadcast_in_dim3A_223, %select_n3A_206 : vector<32x2048xi1>, vector<32x2048xf32>
    %reduce_max3A_225 = arith.constant dense<0xFF800000> : vector<32xf32>
    %reduce_max3A_226 = vector.multi_reduction <maximumf>, %select_n3A_224, %reduce_max3A_225 [1] : vector<32x2048xf32> to vector<32xf32>
    %broadcast_in_dim3A_227 = vector.shape_cast %reduce_max3A_226 : vector<32xf32> to vector<32x1xf32>
    %eq3A_228 = vector.broadcast %broadcast_in_dim3A_227 : vector<32x1xf32> to vector<32x2048xf32>
    %eq3A_229 = arith.cmpf oeq, %select_n3A_224, %eq3A_228 : vector<32x2048xf32>
    %jit3A_230 = arith.constant 2048 : i32
    %broadcast_in_dim3A_231 = vector.broadcast %jit3A_230 : i32 to vector<32x2048xi32>
    %select_n3A_232 = arith.select %eq3A_229, %iota3A, %broadcast_in_dim3A_231 : vector<32x2048xi1>, vector<32x2048xi32>
    %reduce_min3A_233 = arith.constant dense<2147483647> : vector<32xi32>
    %reduce_min3A_234 = vector.multi_reduction <minsi>, %select_n3A_232, %reduce_min3A_233 [1] : vector<32x2048xi32> to vector<32xi32>
    %broadcast_in_dim3A_235 = vector.shape_cast %reduce_min3A_234 : vector<32xi32> to vector<32x1xi32>
    %eq3A_236 = vector.broadcast %broadcast_in_dim3A_235 : vector<32x1xi32> to vector<32x2048xi32>
    %eq3A_237 = arith.cmpi eq, %iota3A, %eq3A_236 : vector<32x2048xi32>
    %convert_element_type3A_238 = arith.extui %eq3A_237 : vector<32x2048xi1> to vector<32x2048xi32>
    %or3A_239 = arith.ori %or3A_221, %convert_element_type3A_238 : vector<32x2048xi32>
    %jit3A_240 = arith.constant -1.000000e+00 : f32
    %broadcast_in_dim3A_241 = vector.broadcast %jit3A_240 : f32 to vector<32x2048xf32>
    %select_n3A_242 = arith.select %eq3A_237, %broadcast_in_dim3A_241, %select_n3A_224 : vector<32x2048xi1>, vector<32x2048xf32>
    %reduce_max3A_243 = arith.constant dense<0xFF800000> : vector<32xf32>
    %reduce_max3A_244 = vector.multi_reduction <maximumf>, %select_n3A_242, %reduce_max3A_243 [1] : vector<32x2048xf32> to vector<32xf32>
    %broadcast_in_dim3A_245 = vector.shape_cast %reduce_max3A_244 : vector<32xf32> to vector<32x1xf32>
    %eq3A_246 = vector.broadcast %broadcast_in_dim3A_245 : vector<32x1xf32> to vector<32x2048xf32>
    %eq3A_247 = arith.cmpf oeq, %select_n3A_242, %eq3A_246 : vector<32x2048xf32>
    %jit3A_248 = arith.constant 2048 : i32
    %broadcast_in_dim3A_249 = vector.broadcast %jit3A_248 : i32 to vector<32x2048xi32>
    %select_n3A_250 = arith.select %eq3A_247, %iota3A, %broadcast_in_dim3A_249 : vector<32x2048xi1>, vector<32x2048xi32>
    %reduce_min3A_251 = arith.constant dense<2147483647> : vector<32xi32>
    %reduce_min3A_252 = vector.multi_reduction <minsi>, %select_n3A_250, %reduce_min3A_251 [1] : vector<32x2048xi32> to vector<32xi32>
    %broadcast_in_dim3A_253 = vector.shape_cast %reduce_min3A_252 : vector<32xi32> to vector<32x1xi32>
    %eq3A_254 = vector.broadcast %broadcast_in_dim3A_253 : vector<32x1xi32> to vector<32x2048xi32>
    %eq3A_255 = arith.cmpi eq, %iota3A, %eq3A_254 : vector<32x2048xi32>
    %convert_element_type3A_256 = arith.extui %eq3A_255 : vector<32x2048xi1> to vector<32x2048xi32>
    %or3A_257 = arith.ori %or3A_239, %convert_element_type3A_256 : vector<32x2048xi32>
    %jit3A_258 = arith.constant -1.000000e+00 : f32
    %broadcast_in_dim3A_259 = vector.broadcast %jit3A_258 : f32 to vector<32x2048xf32>
    %select_n3A_260 = arith.select %eq3A_255, %broadcast_in_dim3A_259, %select_n3A_242 : vector<32x2048xi1>, vector<32x2048xf32>
    %reduce_max3A_261 = arith.constant dense<0xFF800000> : vector<32xf32>
    %reduce_max3A_262 = vector.multi_reduction <maximumf>, %select_n3A_260, %reduce_max3A_261 [1] : vector<32x2048xf32> to vector<32xf32>
    %broadcast_in_dim3A_263 = vector.shape_cast %reduce_max3A_262 : vector<32xf32> to vector<32x1xf32>
    %eq3A_264 = vector.broadcast %broadcast_in_dim3A_263 : vector<32x1xf32> to vector<32x2048xf32>
    %eq3A_265 = arith.cmpf oeq, %select_n3A_260, %eq3A_264 : vector<32x2048xf32>
    %jit3A_266 = arith.constant 2048 : i32
    %broadcast_in_dim3A_267 = vector.broadcast %jit3A_266 : i32 to vector<32x2048xi32>
    %select_n3A_268 = arith.select %eq3A_265, %iota3A, %broadcast_in_dim3A_267 : vector<32x2048xi1>, vector<32x2048xi32>
    %reduce_min3A_269 = arith.constant dense<2147483647> : vector<32xi32>
    %reduce_min3A_270 = vector.multi_reduction <minsi>, %select_n3A_268, %reduce_min3A_269 [1] : vector<32x2048xi32> to vector<32xi32>
    %broadcast_in_dim3A_271 = vector.shape_cast %reduce_min3A_270 : vector<32xi32> to vector<32x1xi32>
    %eq3A_272 = vector.broadcast %broadcast_in_dim3A_271 : vector<32x1xi32> to vector<32x2048xi32>
    %eq3A_273 = arith.cmpi eq, %iota3A, %eq3A_272 : vector<32x2048xi32>
    %convert_element_type3A_274 = arith.extui %eq3A_273 : vector<32x2048xi1> to vector<32x2048xi32>
    %or3A_275 = arith.ori %or3A_257, %convert_element_type3A_274 : vector<32x2048xi32>
    %jit3A_276 = arith.constant -1.000000e+00 : f32
    %broadcast_in_dim3A_277 = vector.broadcast %jit3A_276 : f32 to vector<32x2048xf32>
    %select_n3A_278 = arith.select %eq3A_273, %broadcast_in_dim3A_277, %select_n3A_260 : vector<32x2048xi1>, vector<32x2048xf32>
    %reduce_max3A_279 = arith.constant dense<0xFF800000> : vector<32xf32>
    %reduce_max3A_280 = vector.multi_reduction <maximumf>, %select_n3A_278, %reduce_max3A_279 [1] : vector<32x2048xf32> to vector<32xf32>
    %broadcast_in_dim3A_281 = vector.shape_cast %reduce_max3A_280 : vector<32xf32> to vector<32x1xf32>
    %eq3A_282 = vector.broadcast %broadcast_in_dim3A_281 : vector<32x1xf32> to vector<32x2048xf32>
    %eq3A_283 = arith.cmpf oeq, %select_n3A_278, %eq3A_282 : vector<32x2048xf32>
    %jit3A_284 = arith.constant 2048 : i32
    %broadcast_in_dim3A_285 = vector.broadcast %jit3A_284 : i32 to vector<32x2048xi32>
    %select_n3A_286 = arith.select %eq3A_283, %iota3A, %broadcast_in_dim3A_285 : vector<32x2048xi1>, vector<32x2048xi32>
    %reduce_min3A_287 = arith.constant dense<2147483647> : vector<32xi32>
    %reduce_min3A_288 = vector.multi_reduction <minsi>, %select_n3A_286, %reduce_min3A_287 [1] : vector<32x2048xi32> to vector<32xi32>
    %broadcast_in_dim3A_289 = vector.shape_cast %reduce_min3A_288 : vector<32xi32> to vector<32x1xi32>
    %eq3A_290 = vector.broadcast %broadcast_in_dim3A_289 : vector<32x1xi32> to vector<32x2048xi32>
    %eq3A_291 = arith.cmpi eq, %iota3A, %eq3A_290 : vector<32x2048xi32>
    %convert_element_type3A_292 = arith.extui %eq3A_291 : vector<32x2048xi1> to vector<32x2048xi32>
    %or3A_293 = arith.ori %or3A_275, %convert_element_type3A_292 : vector<32x2048xi32>
    %jit3A_294 = arith.constant -1.000000e+00 : f32
    %broadcast_in_dim3A_295 = vector.broadcast %jit3A_294 : f32 to vector<32x2048xf32>
    %select_n3A_296 = arith.select %eq3A_291, %broadcast_in_dim3A_295, %select_n3A_278 : vector<32x2048xi1>, vector<32x2048xf32>
    %reduce_max3A_297 = arith.constant dense<0xFF800000> : vector<32xf32>
    %reduce_max3A_298 = vector.multi_reduction <maximumf>, %select_n3A_296, %reduce_max3A_297 [1] : vector<32x2048xf32> to vector<32xf32>
    %broadcast_in_dim3A_299 = vector.shape_cast %reduce_max3A_298 : vector<32xf32> to vector<32x1xf32>
    %eq3A_300 = vector.broadcast %broadcast_in_dim3A_299 : vector<32x1xf32> to vector<32x2048xf32>
    %eq3A_301 = arith.cmpf oeq, %select_n3A_296, %eq3A_300 : vector<32x2048xf32>
    %jit3A_302 = arith.constant 2048 : i32
    %broadcast_in_dim3A_303 = vector.broadcast %jit3A_302 : i32 to vector<32x2048xi32>
    %select_n3A_304 = arith.select %eq3A_301, %iota3A, %broadcast_in_dim3A_303 : vector<32x2048xi1>, vector<32x2048xi32>
    %reduce_min3A_305 = arith.constant dense<2147483647> : vector<32xi32>
    %reduce_min3A_306 = vector.multi_reduction <minsi>, %select_n3A_304, %reduce_min3A_305 [1] : vector<32x2048xi32> to vector<32xi32>
    %broadcast_in_dim3A_307 = vector.shape_cast %reduce_min3A_306 : vector<32xi32> to vector<32x1xi32>
    %eq3A_308 = vector.broadcast %broadcast_in_dim3A_307 : vector<32x1xi32> to vector<32x2048xi32>
    %eq3A_309 = arith.cmpi eq, %iota3A, %eq3A_308 : vector<32x2048xi32>
    %convert_element_type3A_310 = arith.extui %eq3A_309 : vector<32x2048xi1> to vector<32x2048xi32>
    %or3A_311 = arith.ori %or3A_293, %convert_element_type3A_310 : vector<32x2048xi32>
    %jit3A_312 = arith.constant -1.000000e+00 : f32
    %broadcast_in_dim3A_313 = vector.broadcast %jit3A_312 : f32 to vector<32x2048xf32>
    %select_n3A_314 = arith.select %eq3A_309, %broadcast_in_dim3A_313, %select_n3A_296 : vector<32x2048xi1>, vector<32x2048xf32>
    %reduce_max3A_315 = arith.constant dense<0xFF800000> : vector<32xf32>
    %reduce_max3A_316 = vector.multi_reduction <maximumf>, %select_n3A_314, %reduce_max3A_315 [1] : vector<32x2048xf32> to vector<32xf32>
    %broadcast_in_dim3A_317 = vector.shape_cast %reduce_max3A_316 : vector<32xf32> to vector<32x1xf32>
    %eq3A_318 = vector.broadcast %broadcast_in_dim3A_317 : vector<32x1xf32> to vector<32x2048xf32>
    %eq3A_319 = arith.cmpf oeq, %select_n3A_314, %eq3A_318 : vector<32x2048xf32>
    %jit3A_320 = arith.constant 2048 : i32
    %broadcast_in_dim3A_321 = vector.broadcast %jit3A_320 : i32 to vector<32x2048xi32>
    %select_n3A_322 = arith.select %eq3A_319, %iota3A, %broadcast_in_dim3A_321 : vector<32x2048xi1>, vector<32x2048xi32>
    %reduce_min3A_323 = arith.constant dense<2147483647> : vector<32xi32>
    %reduce_min3A_324 = vector.multi_reduction <minsi>, %select_n3A_322, %reduce_min3A_323 [1] : vector<32x2048xi32> to vector<32xi32>
    %broadcast_in_dim3A_325 = vector.shape_cast %reduce_min3A_324 : vector<32xi32> to vector<32x1xi32>
    %eq3A_326 = vector.broadcast %broadcast_in_dim3A_325 : vector<32x1xi32> to vector<32x2048xi32>
    %eq3A_327 = arith.cmpi eq, %iota3A, %eq3A_326 : vector<32x2048xi32>
    %convert_element_type3A_328 = arith.extui %eq3A_327 : vector<32x2048xi1> to vector<32x2048xi32>
    %or3A_329 = arith.ori %or3A_311, %convert_element_type3A_328 : vector<32x2048xi32>
    %jit3A_330 = arith.constant -1.000000e+00 : f32
    %broadcast_in_dim3A_331 = vector.broadcast %jit3A_330 : f32 to vector<32x2048xf32>
    %select_n3A_332 = arith.select %eq3A_327, %broadcast_in_dim3A_331, %select_n3A_314 : vector<32x2048xi1>, vector<32x2048xf32>
    %reduce_max3A_333 = arith.constant dense<0xFF800000> : vector<32xf32>
    %reduce_max3A_334 = vector.multi_reduction <maximumf>, %select_n3A_332, %reduce_max3A_333 [1] : vector<32x2048xf32> to vector<32xf32>
    %broadcast_in_dim3A_335 = vector.shape_cast %reduce_max3A_334 : vector<32xf32> to vector<32x1xf32>
    %eq3A_336 = vector.broadcast %broadcast_in_dim3A_335 : vector<32x1xf32> to vector<32x2048xf32>
    %eq3A_337 = arith.cmpf oeq, %select_n3A_332, %eq3A_336 : vector<32x2048xf32>
    %jit3A_338 = arith.constant 2048 : i32
    %broadcast_in_dim3A_339 = vector.broadcast %jit3A_338 : i32 to vector<32x2048xi32>
    %select_n3A_340 = arith.select %eq3A_337, %iota3A, %broadcast_in_dim3A_339 : vector<32x2048xi1>, vector<32x2048xi32>
    %reduce_min3A_341 = arith.constant dense<2147483647> : vector<32xi32>
    %reduce_min3A_342 = vector.multi_reduction <minsi>, %select_n3A_340, %reduce_min3A_341 [1] : vector<32x2048xi32> to vector<32xi32>
    %broadcast_in_dim3A_343 = vector.shape_cast %reduce_min3A_342 : vector<32xi32> to vector<32x1xi32>
    %eq3A_344 = vector.broadcast %broadcast_in_dim3A_343 : vector<32x1xi32> to vector<32x2048xi32>
    %eq3A_345 = arith.cmpi eq, %iota3A, %eq3A_344 : vector<32x2048xi32>
    %convert_element_type3A_346 = arith.extui %eq3A_345 : vector<32x2048xi1> to vector<32x2048xi32>
    %or3A_347 = arith.ori %or3A_329, %convert_element_type3A_346 : vector<32x2048xi32>
    %jit3A_348 = arith.constant -1.000000e+00 : f32
    %broadcast_in_dim3A_349 = vector.broadcast %jit3A_348 : f32 to vector<32x2048xf32>
    %select_n3A_350 = arith.select %eq3A_345, %broadcast_in_dim3A_349, %select_n3A_332 : vector<32x2048xi1>, vector<32x2048xf32>
    %reduce_max3A_351 = arith.constant dense<0xFF800000> : vector<32xf32>
    %reduce_max3A_352 = vector.multi_reduction <maximumf>, %select_n3A_350, %reduce_max3A_351 [1] : vector<32x2048xf32> to vector<32xf32>
    %broadcast_in_dim3A_353 = vector.shape_cast %reduce_max3A_352 : vector<32xf32> to vector<32x1xf32>
    %eq3A_354 = vector.broadcast %broadcast_in_dim3A_353 : vector<32x1xf32> to vector<32x2048xf32>
    %eq3A_355 = arith.cmpf oeq, %select_n3A_350, %eq3A_354 : vector<32x2048xf32>
    %jit3A_356 = arith.constant 2048 : i32
    %broadcast_in_dim3A_357 = vector.broadcast %jit3A_356 : i32 to vector<32x2048xi32>
    %select_n3A_358 = arith.select %eq3A_355, %iota3A, %broadcast_in_dim3A_357 : vector<32x2048xi1>, vector<32x2048xi32>
    %reduce_min3A_359 = arith.constant dense<2147483647> : vector<32xi32>
    %reduce_min3A_360 = vector.multi_reduction <minsi>, %select_n3A_358, %reduce_min3A_359 [1] : vector<32x2048xi32> to vector<32xi32>
    %broadcast_in_dim3A_361 = vector.shape_cast %reduce_min3A_360 : vector<32xi32> to vector<32x1xi32>
    %eq3A_362 = vector.broadcast %broadcast_in_dim3A_361 : vector<32x1xi32> to vector<32x2048xi32>
    %eq3A_363 = arith.cmpi eq, %iota3A, %eq3A_362 : vector<32x2048xi32>
    %convert_element_type3A_364 = arith.extui %eq3A_363 : vector<32x2048xi1> to vector<32x2048xi32>
    %or3A_365 = arith.ori %or3A_347, %convert_element_type3A_364 : vector<32x2048xi32>
    %jit3A_366 = arith.constant -1.000000e+00 : f32
    %broadcast_in_dim3A_367 = vector.broadcast %jit3A_366 : f32 to vector<32x2048xf32>
    %select_n3A_368 = arith.select %eq3A_363, %broadcast_in_dim3A_367, %select_n3A_350 : vector<32x2048xi1>, vector<32x2048xf32>
    %reduce_max3A_369 = arith.constant dense<0xFF800000> : vector<32xf32>
    %reduce_max3A_370 = vector.multi_reduction <maximumf>, %select_n3A_368, %reduce_max3A_369 [1] : vector<32x2048xf32> to vector<32xf32>
    %broadcast_in_dim3A_371 = vector.shape_cast %reduce_max3A_370 : vector<32xf32> to vector<32x1xf32>
    %eq3A_372 = vector.broadcast %broadcast_in_dim3A_371 : vector<32x1xf32> to vector<32x2048xf32>
    %eq3A_373 = arith.cmpf oeq, %select_n3A_368, %eq3A_372 : vector<32x2048xf32>
    %jit3A_374 = arith.constant 2048 : i32
    %broadcast_in_dim3A_375 = vector.broadcast %jit3A_374 : i32 to vector<32x2048xi32>
    %select_n3A_376 = arith.select %eq3A_373, %iota3A, %broadcast_in_dim3A_375 : vector<32x2048xi1>, vector<32x2048xi32>
    %reduce_min3A_377 = arith.constant dense<2147483647> : vector<32xi32>
    %reduce_min3A_378 = vector.multi_reduction <minsi>, %select_n3A_376, %reduce_min3A_377 [1] : vector<32x2048xi32> to vector<32xi32>
    %broadcast_in_dim3A_379 = vector.shape_cast %reduce_min3A_378 : vector<32xi32> to vector<32x1xi32>
    %eq3A_380 = vector.broadcast %broadcast_in_dim3A_379 : vector<32x1xi32> to vector<32x2048xi32>
    %eq3A_381 = arith.cmpi eq, %iota3A, %eq3A_380 : vector<32x2048xi32>
    %convert_element_type3A_382 = arith.extui %eq3A_381 : vector<32x2048xi1> to vector<32x2048xi32>
    %or3A_383 = arith.ori %or3A_365, %convert_element_type3A_382 : vector<32x2048xi32>
    %jit3A_384 = arith.constant -1.000000e+00 : f32
    %broadcast_in_dim3A_385 = vector.broadcast %jit3A_384 : f32 to vector<32x2048xf32>
    %select_n3A_386 = arith.select %eq3A_381, %broadcast_in_dim3A_385, %select_n3A_368 : vector<32x2048xi1>, vector<32x2048xf32>
    %reduce_max3A_387 = arith.constant dense<0xFF800000> : vector<32xf32>
    %reduce_max3A_388 = vector.multi_reduction <maximumf>, %select_n3A_386, %reduce_max3A_387 [1] : vector<32x2048xf32> to vector<32xf32>
    %broadcast_in_dim3A_389 = vector.shape_cast %reduce_max3A_388 : vector<32xf32> to vector<32x1xf32>
    %eq3A_390 = vector.broadcast %broadcast_in_dim3A_389 : vector<32x1xf32> to vector<32x2048xf32>
    %eq3A_391 = arith.cmpf oeq, %select_n3A_386, %eq3A_390 : vector<32x2048xf32>
    %jit3A_392 = arith.constant 2048 : i32
    %broadcast_in_dim3A_393 = vector.broadcast %jit3A_392 : i32 to vector<32x2048xi32>
    %select_n3A_394 = arith.select %eq3A_391, %iota3A, %broadcast_in_dim3A_393 : vector<32x2048xi1>, vector<32x2048xi32>
    %reduce_min3A_395 = arith.constant dense<2147483647> : vector<32xi32>
    %reduce_min3A_396 = vector.multi_reduction <minsi>, %select_n3A_394, %reduce_min3A_395 [1] : vector<32x2048xi32> to vector<32xi32>
    %broadcast_in_dim3A_397 = vector.shape_cast %reduce_min3A_396 : vector<32xi32> to vector<32x1xi32>
    %eq3A_398 = vector.broadcast %broadcast_in_dim3A_397 : vector<32x1xi32> to vector<32x2048xi32>
    %eq3A_399 = arith.cmpi eq, %iota3A, %eq3A_398 : vector<32x2048xi32>
    %convert_element_type3A_400 = arith.extui %eq3A_399 : vector<32x2048xi1> to vector<32x2048xi32>
    %or3A_401 = arith.ori %or3A_383, %convert_element_type3A_400 : vector<32x2048xi32>
    %jit3A_402 = arith.constant -1.000000e+00 : f32
    %broadcast_in_dim3A_403 = vector.broadcast %jit3A_402 : f32 to vector<32x2048xf32>
    %select_n3A_404 = arith.select %eq3A_399, %broadcast_in_dim3A_403, %select_n3A_386 : vector<32x2048xi1>, vector<32x2048xf32>
    %reduce_max3A_405 = arith.constant dense<0xFF800000> : vector<32xf32>
    %reduce_max3A_406 = vector.multi_reduction <maximumf>, %select_n3A_404, %reduce_max3A_405 [1] : vector<32x2048xf32> to vector<32xf32>
    %broadcast_in_dim3A_407 = vector.shape_cast %reduce_max3A_406 : vector<32xf32> to vector<32x1xf32>
    %eq3A_408 = vector.broadcast %broadcast_in_dim3A_407 : vector<32x1xf32> to vector<32x2048xf32>
    %eq3A_409 = arith.cmpf oeq, %select_n3A_404, %eq3A_408 : vector<32x2048xf32>
    %jit3A_410 = arith.constant 2048 : i32
    %broadcast_in_dim3A_411 = vector.broadcast %jit3A_410 : i32 to vector<32x2048xi32>
    %select_n3A_412 = arith.select %eq3A_409, %iota3A, %broadcast_in_dim3A_411 : vector<32x2048xi1>, vector<32x2048xi32>
    %reduce_min3A_413 = arith.constant dense<2147483647> : vector<32xi32>
    %reduce_min3A_414 = vector.multi_reduction <minsi>, %select_n3A_412, %reduce_min3A_413 [1] : vector<32x2048xi32> to vector<32xi32>
    %broadcast_in_dim3A_415 = vector.shape_cast %reduce_min3A_414 : vector<32xi32> to vector<32x1xi32>
    %eq3A_416 = vector.broadcast %broadcast_in_dim3A_415 : vector<32x1xi32> to vector<32x2048xi32>
    %eq3A_417 = arith.cmpi eq, %iota3A, %eq3A_416 : vector<32x2048xi32>
    %convert_element_type3A_418 = arith.extui %eq3A_417 : vector<32x2048xi1> to vector<32x2048xi32>
    %or3A_419 = arith.ori %or3A_401, %convert_element_type3A_418 : vector<32x2048xi32>
    %jit3A_420 = arith.constant -1.000000e+00 : f32
    %broadcast_in_dim3A_421 = vector.broadcast %jit3A_420 : f32 to vector<32x2048xf32>
    %select_n3A_422 = arith.select %eq3A_417, %broadcast_in_dim3A_421, %select_n3A_404 : vector<32x2048xi1>, vector<32x2048xf32>
    %reduce_max3A_423 = arith.constant dense<0xFF800000> : vector<32xf32>
    %reduce_max3A_424 = vector.multi_reduction <maximumf>, %select_n3A_422, %reduce_max3A_423 [1] : vector<32x2048xf32> to vector<32xf32>
    %broadcast_in_dim3A_425 = vector.shape_cast %reduce_max3A_424 : vector<32xf32> to vector<32x1xf32>
    %eq3A_426 = vector.broadcast %broadcast_in_dim3A_425 : vector<32x1xf32> to vector<32x2048xf32>
    %eq3A_427 = arith.cmpf oeq, %select_n3A_422, %eq3A_426 : vector<32x2048xf32>
    %jit3A_428 = arith.constant 2048 : i32
    %broadcast_in_dim3A_429 = vector.broadcast %jit3A_428 : i32 to vector<32x2048xi32>
    %select_n3A_430 = arith.select %eq3A_427, %iota3A, %broadcast_in_dim3A_429 : vector<32x2048xi1>, vector<32x2048xi32>
    %reduce_min3A_431 = arith.constant dense<2147483647> : vector<32xi32>
    %reduce_min3A_432 = vector.multi_reduction <minsi>, %select_n3A_430, %reduce_min3A_431 [1] : vector<32x2048xi32> to vector<32xi32>
    %broadcast_in_dim3A_433 = vector.shape_cast %reduce_min3A_432 : vector<32xi32> to vector<32x1xi32>
    %eq3A_434 = vector.broadcast %broadcast_in_dim3A_433 : vector<32x1xi32> to vector<32x2048xi32>
    %eq3A_435 = arith.cmpi eq, %iota3A, %eq3A_434 : vector<32x2048xi32>
    %convert_element_type3A_436 = arith.extui %eq3A_435 : vector<32x2048xi1> to vector<32x2048xi32>
    %or3A_437 = arith.ori %or3A_419, %convert_element_type3A_436 : vector<32x2048xi32>
    %jit3A_438 = arith.constant -1.000000e+00 : f32
    %broadcast_in_dim3A_439 = vector.broadcast %jit3A_438 : f32 to vector<32x2048xf32>
    %select_n3A_440 = arith.select %eq3A_435, %broadcast_in_dim3A_439, %select_n3A_422 : vector<32x2048xi1>, vector<32x2048xf32>
    %reduce_max3A_441 = arith.constant dense<0xFF800000> : vector<32xf32>
    %reduce_max3A_442 = vector.multi_reduction <maximumf>, %select_n3A_440, %reduce_max3A_441 [1] : vector<32x2048xf32> to vector<32xf32>
    %broadcast_in_dim3A_443 = vector.shape_cast %reduce_max3A_442 : vector<32xf32> to vector<32x1xf32>
    %eq3A_444 = vector.broadcast %broadcast_in_dim3A_443 : vector<32x1xf32> to vector<32x2048xf32>
    %eq3A_445 = arith.cmpf oeq, %select_n3A_440, %eq3A_444 : vector<32x2048xf32>
    %jit3A_446 = arith.constant 2048 : i32
    %broadcast_in_dim3A_447 = vector.broadcast %jit3A_446 : i32 to vector<32x2048xi32>
    %select_n3A_448 = arith.select %eq3A_445, %iota3A, %broadcast_in_dim3A_447 : vector<32x2048xi1>, vector<32x2048xi32>
    %reduce_min3A_449 = arith.constant dense<2147483647> : vector<32xi32>
    %reduce_min3A_450 = vector.multi_reduction <minsi>, %select_n3A_448, %reduce_min3A_449 [1] : vector<32x2048xi32> to vector<32xi32>
    %broadcast_in_dim3A_451 = vector.shape_cast %reduce_min3A_450 : vector<32xi32> to vector<32x1xi32>
    %eq3A_452 = vector.broadcast %broadcast_in_dim3A_451 : vector<32x1xi32> to vector<32x2048xi32>
    %eq3A_453 = arith.cmpi eq, %iota3A, %eq3A_452 : vector<32x2048xi32>
    %convert_element_type3A_454 = arith.extui %eq3A_453 : vector<32x2048xi1> to vector<32x2048xi32>
    %or3A_455 = arith.ori %or3A_437, %convert_element_type3A_454 : vector<32x2048xi32>
    %jit3A_456 = arith.constant -1.000000e+00 : f32
    %broadcast_in_dim3A_457 = vector.broadcast %jit3A_456 : f32 to vector<32x2048xf32>
    %select_n3A_458 = arith.select %eq3A_453, %broadcast_in_dim3A_457, %select_n3A_440 : vector<32x2048xi1>, vector<32x2048xf32>
    %reduce_max3A_459 = arith.constant dense<0xFF800000> : vector<32xf32>
    %reduce_max3A_460 = vector.multi_reduction <maximumf>, %select_n3A_458, %reduce_max3A_459 [1] : vector<32x2048xf32> to vector<32xf32>
    %broadcast_in_dim3A_461 = vector.shape_cast %reduce_max3A_460 : vector<32xf32> to vector<32x1xf32>
    %eq3A_462 = vector.broadcast %broadcast_in_dim3A_461 : vector<32x1xf32> to vector<32x2048xf32>
    %eq3A_463 = arith.cmpf oeq, %select_n3A_458, %eq3A_462 : vector<32x2048xf32>
    %jit3A_464 = arith.constant 2048 : i32
    %broadcast_in_dim3A_465 = vector.broadcast %jit3A_464 : i32 to vector<32x2048xi32>
    %select_n3A_466 = arith.select %eq3A_463, %iota3A, %broadcast_in_dim3A_465 : vector<32x2048xi1>, vector<32x2048xi32>
    %reduce_min3A_467 = arith.constant dense<2147483647> : vector<32xi32>
    %reduce_min3A_468 = vector.multi_reduction <minsi>, %select_n3A_466, %reduce_min3A_467 [1] : vector<32x2048xi32> to vector<32xi32>
    %broadcast_in_dim3A_469 = vector.shape_cast %reduce_min3A_468 : vector<32xi32> to vector<32x1xi32>
    %eq3A_470 = vector.broadcast %broadcast_in_dim3A_469 : vector<32x1xi32> to vector<32x2048xi32>
    %eq3A_471 = arith.cmpi eq, %iota3A, %eq3A_470 : vector<32x2048xi32>
    %convert_element_type3A_472 = arith.extui %eq3A_471 : vector<32x2048xi1> to vector<32x2048xi32>
    %or3A_473 = arith.ori %or3A_455, %convert_element_type3A_472 : vector<32x2048xi32>
    %jit3A_474 = arith.constant -1.000000e+00 : f32
    %broadcast_in_dim3A_475 = vector.broadcast %jit3A_474 : f32 to vector<32x2048xf32>
    %select_n3A_476 = arith.select %eq3A_471, %broadcast_in_dim3A_475, %select_n3A_458 : vector<32x2048xi1>, vector<32x2048xf32>
    %reduce_max3A_477 = arith.constant dense<0xFF800000> : vector<32xf32>
    %reduce_max3A_478 = vector.multi_reduction <maximumf>, %select_n3A_476, %reduce_max3A_477 [1] : vector<32x2048xf32> to vector<32xf32>
    %broadcast_in_dim3A_479 = vector.shape_cast %reduce_max3A_478 : vector<32xf32> to vector<32x1xf32>
    %eq3A_480 = vector.broadcast %broadcast_in_dim3A_479 : vector<32x1xf32> to vector<32x2048xf32>
    %eq3A_481 = arith.cmpf oeq, %select_n3A_476, %eq3A_480 : vector<32x2048xf32>
    %jit3A_482 = arith.constant 2048 : i32
    %broadcast_in_dim3A_483 = vector.broadcast %jit3A_482 : i32 to vector<32x2048xi32>
    %select_n3A_484 = arith.select %eq3A_481, %iota3A, %broadcast_in_dim3A_483 : vector<32x2048xi1>, vector<32x2048xi32>
    %reduce_min3A_485 = arith.constant dense<2147483647> : vector<32xi32>
    %reduce_min3A_486 = vector.multi_reduction <minsi>, %select_n3A_484, %reduce_min3A_485 [1] : vector<32x2048xi32> to vector<32xi32>
    %broadcast_in_dim3A_487 = vector.shape_cast %reduce_min3A_486 : vector<32xi32> to vector<32x1xi32>
    %eq3A_488 = vector.broadcast %broadcast_in_dim3A_487 : vector<32x1xi32> to vector<32x2048xi32>
    %eq3A_489 = arith.cmpi eq, %iota3A, %eq3A_488 : vector<32x2048xi32>
    %convert_element_type3A_490 = arith.extui %eq3A_489 : vector<32x2048xi1> to vector<32x2048xi32>
    %or3A_491 = arith.ori %or3A_473, %convert_element_type3A_490 : vector<32x2048xi32>
    %jit3A_492 = arith.constant -1.000000e+00 : f32
    %broadcast_in_dim3A_493 = vector.broadcast %jit3A_492 : f32 to vector<32x2048xf32>
    %select_n3A_494 = arith.select %eq3A_489, %broadcast_in_dim3A_493, %select_n3A_476 : vector<32x2048xi1>, vector<32x2048xf32>
    %reduce_max3A_495 = arith.constant dense<0xFF800000> : vector<32xf32>
    %reduce_max3A_496 = vector.multi_reduction <maximumf>, %select_n3A_494, %reduce_max3A_495 [1] : vector<32x2048xf32> to vector<32xf32>
    %broadcast_in_dim3A_497 = vector.shape_cast %reduce_max3A_496 : vector<32xf32> to vector<32x1xf32>
    %eq3A_498 = vector.broadcast %broadcast_in_dim3A_497 : vector<32x1xf32> to vector<32x2048xf32>
    %eq3A_499 = arith.cmpf oeq, %select_n3A_494, %eq3A_498 : vector<32x2048xf32>
    %jit3A_500 = arith.constant 2048 : i32
    %broadcast_in_dim3A_501 = vector.broadcast %jit3A_500 : i32 to vector<32x2048xi32>
    %select_n3A_502 = arith.select %eq3A_499, %iota3A, %broadcast_in_dim3A_501 : vector<32x2048xi1>, vector<32x2048xi32>
    %reduce_min3A_503 = arith.constant dense<2147483647> : vector<32xi32>
    %reduce_min3A_504 = vector.multi_reduction <minsi>, %select_n3A_502, %reduce_min3A_503 [1] : vector<32x2048xi32> to vector<32xi32>
    %broadcast_in_dim3A_505 = vector.shape_cast %reduce_min3A_504 : vector<32xi32> to vector<32x1xi32>
    %eq3A_506 = vector.broadcast %broadcast_in_dim3A_505 : vector<32x1xi32> to vector<32x2048xi32>
    %eq3A_507 = arith.cmpi eq, %iota3A, %eq3A_506 : vector<32x2048xi32>
    %convert_element_type3A_508 = arith.extui %eq3A_507 : vector<32x2048xi1> to vector<32x2048xi32>
    %or3A_509 = arith.ori %or3A_491, %convert_element_type3A_508 : vector<32x2048xi32>
    %jit3A_510 = arith.constant -1.000000e+00 : f32
    %broadcast_in_dim3A_511 = vector.broadcast %jit3A_510 : f32 to vector<32x2048xf32>
    %select_n3A_512 = arith.select %eq3A_507, %broadcast_in_dim3A_511, %select_n3A_494 : vector<32x2048xi1>, vector<32x2048xf32>
    %reduce_max3A_513 = arith.constant dense<0xFF800000> : vector<32xf32>
    %reduce_max3A_514 = vector.multi_reduction <maximumf>, %select_n3A_512, %reduce_max3A_513 [1] : vector<32x2048xf32> to vector<32xf32>
    %broadcast_in_dim3A_515 = vector.shape_cast %reduce_max3A_514 : vector<32xf32> to vector<32x1xf32>
    %eq3A_516 = vector.broadcast %broadcast_in_dim3A_515 : vector<32x1xf32> to vector<32x2048xf32>
    %eq3A_517 = arith.cmpf oeq, %select_n3A_512, %eq3A_516 : vector<32x2048xf32>
    %jit3A_518 = arith.constant 2048 : i32
    %broadcast_in_dim3A_519 = vector.broadcast %jit3A_518 : i32 to vector<32x2048xi32>
    %select_n3A_520 = arith.select %eq3A_517, %iota3A, %broadcast_in_dim3A_519 : vector<32x2048xi1>, vector<32x2048xi32>
    %reduce_min3A_521 = arith.constant dense<2147483647> : vector<32xi32>
    %reduce_min3A_522 = vector.multi_reduction <minsi>, %select_n3A_520, %reduce_min3A_521 [1] : vector<32x2048xi32> to vector<32xi32>
    %broadcast_in_dim3A_523 = vector.shape_cast %reduce_min3A_522 : vector<32xi32> to vector<32x1xi32>
    %eq3A_524 = vector.broadcast %broadcast_in_dim3A_523 : vector<32x1xi32> to vector<32x2048xi32>
    %eq3A_525 = arith.cmpi eq, %iota3A, %eq3A_524 : vector<32x2048xi32>
    %convert_element_type3A_526 = arith.extui %eq3A_525 : vector<32x2048xi1> to vector<32x2048xi32>
    %or3A_527 = arith.ori %or3A_509, %convert_element_type3A_526 : vector<32x2048xi32>
    %jit3A_528 = arith.constant -1.000000e+00 : f32
    %broadcast_in_dim3A_529 = vector.broadcast %jit3A_528 : f32 to vector<32x2048xf32>
    %select_n3A_530 = arith.select %eq3A_525, %broadcast_in_dim3A_529, %select_n3A_512 : vector<32x2048xi1>, vector<32x2048xf32>
    %reduce_max3A_531 = arith.constant dense<0xFF800000> : vector<32xf32>
    %reduce_max3A_532 = vector.multi_reduction <maximumf>, %select_n3A_530, %reduce_max3A_531 [1] : vector<32x2048xf32> to vector<32xf32>
    %broadcast_in_dim3A_533 = vector.shape_cast %reduce_max3A_532 : vector<32xf32> to vector<32x1xf32>
    %eq3A_534 = vector.broadcast %broadcast_in_dim3A_533 : vector<32x1xf32> to vector<32x2048xf32>
    %eq3A_535 = arith.cmpf oeq, %select_n3A_530, %eq3A_534 : vector<32x2048xf32>
    %jit3A_536 = arith.constant 2048 : i32
    %broadcast_in_dim3A_537 = vector.broadcast %jit3A_536 : i32 to vector<32x2048xi32>
    %select_n3A_538 = arith.select %eq3A_535, %iota3A, %broadcast_in_dim3A_537 : vector<32x2048xi1>, vector<32x2048xi32>
    %reduce_min3A_539 = arith.constant dense<2147483647> : vector<32xi32>
    %reduce_min3A_540 = vector.multi_reduction <minsi>, %select_n3A_538, %reduce_min3A_539 [1] : vector<32x2048xi32> to vector<32xi32>
    %broadcast_in_dim3A_541 = vector.shape_cast %reduce_min3A_540 : vector<32xi32> to vector<32x1xi32>
    %eq3A_542 = vector.broadcast %broadcast_in_dim3A_541 : vector<32x1xi32> to vector<32x2048xi32>
    %eq3A_543 = arith.cmpi eq, %iota3A, %eq3A_542 : vector<32x2048xi32>
    %convert_element_type3A_544 = arith.extui %eq3A_543 : vector<32x2048xi1> to vector<32x2048xi32>
    %or3A_545 = arith.ori %or3A_527, %convert_element_type3A_544 : vector<32x2048xi32>
    %jit3A_546 = arith.constant -1.000000e+00 : f32
    %broadcast_in_dim3A_547 = vector.broadcast %jit3A_546 : f32 to vector<32x2048xf32>
    %select_n3A_548 = arith.select %eq3A_543, %broadcast_in_dim3A_547, %select_n3A_530 : vector<32x2048xi1>, vector<32x2048xf32>
    %reduce_max3A_549 = arith.constant dense<0xFF800000> : vector<32xf32>
    %reduce_max3A_550 = vector.multi_reduction <maximumf>, %select_n3A_548, %reduce_max3A_549 [1] : vector<32x2048xf32> to vector<32xf32>
    %broadcast_in_dim3A_551 = vector.shape_cast %reduce_max3A_550 : vector<32xf32> to vector<32x1xf32>
    %eq3A_552 = vector.broadcast %broadcast_in_dim3A_551 : vector<32x1xf32> to vector<32x2048xf32>
    %eq3A_553 = arith.cmpf oeq, %select_n3A_548, %eq3A_552 : vector<32x2048xf32>
    %jit3A_554 = arith.constant 2048 : i32
    %broadcast_in_dim3A_555 = vector.broadcast %jit3A_554 : i32 to vector<32x2048xi32>
    %select_n3A_556 = arith.select %eq3A_553, %iota3A, %broadcast_in_dim3A_555 : vector<32x2048xi1>, vector<32x2048xi32>
    %reduce_min3A_557 = arith.constant dense<2147483647> : vector<32xi32>
    %reduce_min3A_558 = vector.multi_reduction <minsi>, %select_n3A_556, %reduce_min3A_557 [1] : vector<32x2048xi32> to vector<32xi32>
    %broadcast_in_dim3A_559 = vector.shape_cast %reduce_min3A_558 : vector<32xi32> to vector<32x1xi32>
    %eq3A_560 = vector.broadcast %broadcast_in_dim3A_559 : vector<32x1xi32> to vector<32x2048xi32>
    %eq3A_561 = arith.cmpi eq, %iota3A, %eq3A_560 : vector<32x2048xi32>
    %convert_element_type3A_562 = arith.extui %eq3A_561 : vector<32x2048xi1> to vector<32x2048xi32>
    %or3A_563 = arith.ori %or3A_545, %convert_element_type3A_562 : vector<32x2048xi32>
    %jit3A_564 = arith.constant -1.000000e+00 : f32
    %broadcast_in_dim3A_565 = vector.broadcast %jit3A_564 : f32 to vector<32x2048xf32>
    %select_n3A_566 = arith.select %eq3A_561, %broadcast_in_dim3A_565, %select_n3A_548 : vector<32x2048xi1>, vector<32x2048xf32>
    %reduce_max3A_567 = arith.constant dense<0xFF800000> : vector<32xf32>
    %reduce_max3A_568 = vector.multi_reduction <maximumf>, %select_n3A_566, %reduce_max3A_567 [1] : vector<32x2048xf32> to vector<32xf32>
    %broadcast_in_dim3A_569 = vector.shape_cast %reduce_max3A_568 : vector<32xf32> to vector<32x1xf32>
    %eq3A_570 = vector.broadcast %broadcast_in_dim3A_569 : vector<32x1xf32> to vector<32x2048xf32>
    %eq3A_571 = arith.cmpf oeq, %select_n3A_566, %eq3A_570 : vector<32x2048xf32>
    %jit3A_572 = arith.constant 2048 : i32
    %broadcast_in_dim3A_573 = vector.broadcast %jit3A_572 : i32 to vector<32x2048xi32>
    %select_n3A_574 = arith.select %eq3A_571, %iota3A, %broadcast_in_dim3A_573 : vector<32x2048xi1>, vector<32x2048xi32>
    %reduce_min3A_575 = arith.constant dense<2147483647> : vector<32xi32>
    %reduce_min3A_576 = vector.multi_reduction <minsi>, %select_n3A_574, %reduce_min3A_575 [1] : vector<32x2048xi32> to vector<32xi32>
    %broadcast_in_dim3A_577 = vector.shape_cast %reduce_min3A_576 : vector<32xi32> to vector<32x1xi32>
    %eq3A_578 = vector.broadcast %broadcast_in_dim3A_577 : vector<32x1xi32> to vector<32x2048xi32>
    %eq3A_579 = arith.cmpi eq, %iota3A, %eq3A_578 : vector<32x2048xi32>
    %convert_element_type3A_580 = arith.extui %eq3A_579 : vector<32x2048xi1> to vector<32x2048xi32>
    %or3A_581 = arith.ori %or3A_563, %convert_element_type3A_580 : vector<32x2048xi32>
    %jit3A_582 = arith.constant -1.000000e+00 : f32
    %broadcast_in_dim3A_583 = vector.broadcast %jit3A_582 : f32 to vector<32x2048xf32>
    %select_n3A_584 = arith.select %eq3A_579, %broadcast_in_dim3A_583, %select_n3A_566 : vector<32x2048xi1>, vector<32x2048xf32>
    %reduce_max3A_585 = arith.constant dense<0xFF800000> : vector<32xf32>
    %reduce_max3A_586 = vector.multi_reduction <maximumf>, %select_n3A_584, %reduce_max3A_585 [1] : vector<32x2048xf32> to vector<32xf32>
    %broadcast_in_dim3A_587 = vector.shape_cast %reduce_max3A_586 : vector<32xf32> to vector<32x1xf32>
    %eq3A_588 = vector.broadcast %broadcast_in_dim3A_587 : vector<32x1xf32> to vector<32x2048xf32>
    %eq3A_589 = arith.cmpf oeq, %select_n3A_584, %eq3A_588 : vector<32x2048xf32>
    %jit3A_590 = arith.constant 2048 : i32
    %broadcast_in_dim3A_591 = vector.broadcast %jit3A_590 : i32 to vector<32x2048xi32>
    %select_n3A_592 = arith.select %eq3A_589, %iota3A, %broadcast_in_dim3A_591 : vector<32x2048xi1>, vector<32x2048xi32>
    %reduce_min3A_593 = arith.constant dense<2147483647> : vector<32xi32>
    %reduce_min3A_594 = vector.multi_reduction <minsi>, %select_n3A_592, %reduce_min3A_593 [1] : vector<32x2048xi32> to vector<32xi32>
    %broadcast_in_dim3A_595 = vector.shape_cast %reduce_min3A_594 : vector<32xi32> to vector<32x1xi32>
    %eq3A_596 = vector.broadcast %broadcast_in_dim3A_595 : vector<32x1xi32> to vector<32x2048xi32>
    %eq3A_597 = arith.cmpi eq, %iota3A, %eq3A_596 : vector<32x2048xi32>
    %convert_element_type3A_598 = arith.extui %eq3A_597 : vector<32x2048xi1> to vector<32x2048xi32>
    %or3A_599 = arith.ori %or3A_581, %convert_element_type3A_598 : vector<32x2048xi32>
    %jit3A_600 = arith.constant -1.000000e+00 : f32
    %broadcast_in_dim3A_601 = vector.broadcast %jit3A_600 : f32 to vector<32x2048xf32>
    %select_n3A_602 = arith.select %eq3A_597, %broadcast_in_dim3A_601, %select_n3A_584 : vector<32x2048xi1>, vector<32x2048xf32>
    %reduce_max3A_603 = arith.constant dense<0xFF800000> : vector<32xf32>
    %reduce_max3A_604 = vector.multi_reduction <maximumf>, %select_n3A_602, %reduce_max3A_603 [1] : vector<32x2048xf32> to vector<32xf32>
    %broadcast_in_dim3A_605 = vector.shape_cast %reduce_max3A_604 : vector<32xf32> to vector<32x1xf32>
    %eq3A_606 = vector.broadcast %broadcast_in_dim3A_605 : vector<32x1xf32> to vector<32x2048xf32>
    %eq3A_607 = arith.cmpf oeq, %select_n3A_602, %eq3A_606 : vector<32x2048xf32>
    %jit3A_608 = arith.constant 2048 : i32
    %broadcast_in_dim3A_609 = vector.broadcast %jit3A_608 : i32 to vector<32x2048xi32>
    %select_n3A_610 = arith.select %eq3A_607, %iota3A, %broadcast_in_dim3A_609 : vector<32x2048xi1>, vector<32x2048xi32>
    %reduce_min3A_611 = arith.constant dense<2147483647> : vector<32xi32>
    %reduce_min3A_612 = vector.multi_reduction <minsi>, %select_n3A_610, %reduce_min3A_611 [1] : vector<32x2048xi32> to vector<32xi32>
    %broadcast_in_dim3A_613 = vector.shape_cast %reduce_min3A_612 : vector<32xi32> to vector<32x1xi32>
    %eq3A_614 = vector.broadcast %broadcast_in_dim3A_613 : vector<32x1xi32> to vector<32x2048xi32>
    %eq3A_615 = arith.cmpi eq, %iota3A, %eq3A_614 : vector<32x2048xi32>
    %convert_element_type3A_616 = arith.extui %eq3A_615 : vector<32x2048xi1> to vector<32x2048xi32>
    %or3A_617 = arith.ori %or3A_599, %convert_element_type3A_616 : vector<32x2048xi32>
    %jit3A_618 = arith.constant -1.000000e+00 : f32
    %broadcast_in_dim3A_619 = vector.broadcast %jit3A_618 : f32 to vector<32x2048xf32>
    %select_n3A_620 = arith.select %eq3A_615, %broadcast_in_dim3A_619, %select_n3A_602 : vector<32x2048xi1>, vector<32x2048xf32>
    %reduce_max3A_621 = arith.constant dense<0xFF800000> : vector<32xf32>
    %reduce_max3A_622 = vector.multi_reduction <maximumf>, %select_n3A_620, %reduce_max3A_621 [1] : vector<32x2048xf32> to vector<32xf32>
    %broadcast_in_dim3A_623 = vector.shape_cast %reduce_max3A_622 : vector<32xf32> to vector<32x1xf32>
    %eq3A_624 = vector.broadcast %broadcast_in_dim3A_623 : vector<32x1xf32> to vector<32x2048xf32>
    %eq3A_625 = arith.cmpf oeq, %select_n3A_620, %eq3A_624 : vector<32x2048xf32>
    %jit3A_626 = arith.constant 2048 : i32
    %broadcast_in_dim3A_627 = vector.broadcast %jit3A_626 : i32 to vector<32x2048xi32>
    %select_n3A_628 = arith.select %eq3A_625, %iota3A, %broadcast_in_dim3A_627 : vector<32x2048xi1>, vector<32x2048xi32>
    %reduce_min3A_629 = arith.constant dense<2147483647> : vector<32xi32>
    %reduce_min3A_630 = vector.multi_reduction <minsi>, %select_n3A_628, %reduce_min3A_629 [1] : vector<32x2048xi32> to vector<32xi32>
    %broadcast_in_dim3A_631 = vector.shape_cast %reduce_min3A_630 : vector<32xi32> to vector<32x1xi32>
    %eq3A_632 = vector.broadcast %broadcast_in_dim3A_631 : vector<32x1xi32> to vector<32x2048xi32>
    %eq3A_633 = arith.cmpi eq, %iota3A, %eq3A_632 : vector<32x2048xi32>
    %convert_element_type3A_634 = arith.extui %eq3A_633 : vector<32x2048xi1> to vector<32x2048xi32>
    %or3A_635 = arith.ori %or3A_617, %convert_element_type3A_634 : vector<32x2048xi32>
    %jit3A_636 = arith.constant -1.000000e+00 : f32
    %broadcast_in_dim3A_637 = vector.broadcast %jit3A_636 : f32 to vector<32x2048xf32>
    %select_n3A_638 = arith.select %eq3A_633, %broadcast_in_dim3A_637, %select_n3A_620 : vector<32x2048xi1>, vector<32x2048xf32>
    %reduce_max3A_639 = arith.constant dense<0xFF800000> : vector<32xf32>
    %reduce_max3A_640 = vector.multi_reduction <maximumf>, %select_n3A_638, %reduce_max3A_639 [1] : vector<32x2048xf32> to vector<32xf32>
    %broadcast_in_dim3A_641 = vector.shape_cast %reduce_max3A_640 : vector<32xf32> to vector<32x1xf32>
    %eq3A_642 = vector.broadcast %broadcast_in_dim3A_641 : vector<32x1xf32> to vector<32x2048xf32>
    %eq3A_643 = arith.cmpf oeq, %select_n3A_638, %eq3A_642 : vector<32x2048xf32>
    %jit3A_644 = arith.constant 2048 : i32
    %broadcast_in_dim3A_645 = vector.broadcast %jit3A_644 : i32 to vector<32x2048xi32>
    %select_n3A_646 = arith.select %eq3A_643, %iota3A, %broadcast_in_dim3A_645 : vector<32x2048xi1>, vector<32x2048xi32>
    %reduce_min3A_647 = arith.constant dense<2147483647> : vector<32xi32>
    %reduce_min3A_648 = vector.multi_reduction <minsi>, %select_n3A_646, %reduce_min3A_647 [1] : vector<32x2048xi32> to vector<32xi32>
    %broadcast_in_dim3A_649 = vector.shape_cast %reduce_min3A_648 : vector<32xi32> to vector<32x1xi32>
    %eq3A_650 = vector.broadcast %broadcast_in_dim3A_649 : vector<32x1xi32> to vector<32x2048xi32>
    %eq3A_651 = arith.cmpi eq, %iota3A, %eq3A_650 : vector<32x2048xi32>
    %convert_element_type3A_652 = arith.extui %eq3A_651 : vector<32x2048xi1> to vector<32x2048xi32>
    %or3A_653 = arith.ori %or3A_635, %convert_element_type3A_652 : vector<32x2048xi32>
    %jit3A_654 = arith.constant -1.000000e+00 : f32
    %broadcast_in_dim3A_655 = vector.broadcast %jit3A_654 : f32 to vector<32x2048xf32>
    %select_n3A_656 = arith.select %eq3A_651, %broadcast_in_dim3A_655, %select_n3A_638 : vector<32x2048xi1>, vector<32x2048xf32>
    %reduce_max3A_657 = arith.constant dense<0xFF800000> : vector<32xf32>
    %reduce_max3A_658 = vector.multi_reduction <maximumf>, %select_n3A_656, %reduce_max3A_657 [1] : vector<32x2048xf32> to vector<32xf32>
    %broadcast_in_dim3A_659 = vector.shape_cast %reduce_max3A_658 : vector<32xf32> to vector<32x1xf32>
    %eq3A_660 = vector.broadcast %broadcast_in_dim3A_659 : vector<32x1xf32> to vector<32x2048xf32>
    %eq3A_661 = arith.cmpf oeq, %select_n3A_656, %eq3A_660 : vector<32x2048xf32>
    %jit3A_662 = arith.constant 2048 : i32
    %broadcast_in_dim3A_663 = vector.broadcast %jit3A_662 : i32 to vector<32x2048xi32>
    %select_n3A_664 = arith.select %eq3A_661, %iota3A, %broadcast_in_dim3A_663 : vector<32x2048xi1>, vector<32x2048xi32>
    %reduce_min3A_665 = arith.constant dense<2147483647> : vector<32xi32>
    %reduce_min3A_666 = vector.multi_reduction <minsi>, %select_n3A_664, %reduce_min3A_665 [1] : vector<32x2048xi32> to vector<32xi32>
    %broadcast_in_dim3A_667 = vector.shape_cast %reduce_min3A_666 : vector<32xi32> to vector<32x1xi32>
    %eq3A_668 = vector.broadcast %broadcast_in_dim3A_667 : vector<32x1xi32> to vector<32x2048xi32>
    %eq3A_669 = arith.cmpi eq, %iota3A, %eq3A_668 : vector<32x2048xi32>
    %convert_element_type3A_670 = arith.extui %eq3A_669 : vector<32x2048xi1> to vector<32x2048xi32>
    %or3A_671 = arith.ori %or3A_653, %convert_element_type3A_670 : vector<32x2048xi32>
    %jit3A_672 = arith.constant -1.000000e+00 : f32
    %broadcast_in_dim3A_673 = vector.broadcast %jit3A_672 : f32 to vector<32x2048xf32>
    %select_n3A_674 = arith.select %eq3A_669, %broadcast_in_dim3A_673, %select_n3A_656 : vector<32x2048xi1>, vector<32x2048xf32>
    %reduce_max3A_675 = arith.constant dense<0xFF800000> : vector<32xf32>
    %reduce_max3A_676 = vector.multi_reduction <maximumf>, %select_n3A_674, %reduce_max3A_675 [1] : vector<32x2048xf32> to vector<32xf32>
    %broadcast_in_dim3A_677 = vector.shape_cast %reduce_max3A_676 : vector<32xf32> to vector<32x1xf32>
    %eq3A_678 = vector.broadcast %broadcast_in_dim3A_677 : vector<32x1xf32> to vector<32x2048xf32>
    %eq3A_679 = arith.cmpf oeq, %select_n3A_674, %eq3A_678 : vector<32x2048xf32>
    %jit3A_680 = arith.constant 2048 : i32
    %broadcast_in_dim3A_681 = vector.broadcast %jit3A_680 : i32 to vector<32x2048xi32>
    %select_n3A_682 = arith.select %eq3A_679, %iota3A, %broadcast_in_dim3A_681 : vector<32x2048xi1>, vector<32x2048xi32>
    %reduce_min3A_683 = arith.constant dense<2147483647> : vector<32xi32>
    %reduce_min3A_684 = vector.multi_reduction <minsi>, %select_n3A_682, %reduce_min3A_683 [1] : vector<32x2048xi32> to vector<32xi32>
    %broadcast_in_dim3A_685 = vector.shape_cast %reduce_min3A_684 : vector<32xi32> to vector<32x1xi32>
    %eq3A_686 = vector.broadcast %broadcast_in_dim3A_685 : vector<32x1xi32> to vector<32x2048xi32>
    %eq3A_687 = arith.cmpi eq, %iota3A, %eq3A_686 : vector<32x2048xi32>
    %convert_element_type3A_688 = arith.extui %eq3A_687 : vector<32x2048xi1> to vector<32x2048xi32>
    %or3A_689 = arith.ori %or3A_671, %convert_element_type3A_688 : vector<32x2048xi32>
    %jit3A_690 = arith.constant -1.000000e+00 : f32
    %broadcast_in_dim3A_691 = vector.broadcast %jit3A_690 : f32 to vector<32x2048xf32>
    %select_n3A_692 = arith.select %eq3A_687, %broadcast_in_dim3A_691, %select_n3A_674 : vector<32x2048xi1>, vector<32x2048xf32>
    %reduce_max3A_693 = arith.constant dense<0xFF800000> : vector<32xf32>
    %reduce_max3A_694 = vector.multi_reduction <maximumf>, %select_n3A_692, %reduce_max3A_693 [1] : vector<32x2048xf32> to vector<32xf32>
    %broadcast_in_dim3A_695 = vector.shape_cast %reduce_max3A_694 : vector<32xf32> to vector<32x1xf32>
    %eq3A_696 = vector.broadcast %broadcast_in_dim3A_695 : vector<32x1xf32> to vector<32x2048xf32>
    %eq3A_697 = arith.cmpf oeq, %select_n3A_692, %eq3A_696 : vector<32x2048xf32>
    %jit3A_698 = arith.constant 2048 : i32
    %broadcast_in_dim3A_699 = vector.broadcast %jit3A_698 : i32 to vector<32x2048xi32>
    %select_n3A_700 = arith.select %eq3A_697, %iota3A, %broadcast_in_dim3A_699 : vector<32x2048xi1>, vector<32x2048xi32>
    %reduce_min3A_701 = arith.constant dense<2147483647> : vector<32xi32>
    %reduce_min3A_702 = vector.multi_reduction <minsi>, %select_n3A_700, %reduce_min3A_701 [1] : vector<32x2048xi32> to vector<32xi32>
    %broadcast_in_dim3A_703 = vector.shape_cast %reduce_min3A_702 : vector<32xi32> to vector<32x1xi32>
    %eq3A_704 = vector.broadcast %broadcast_in_dim3A_703 : vector<32x1xi32> to vector<32x2048xi32>
    %eq3A_705 = arith.cmpi eq, %iota3A, %eq3A_704 : vector<32x2048xi32>
    %convert_element_type3A_706 = arith.extui %eq3A_705 : vector<32x2048xi1> to vector<32x2048xi32>
    %or3A_707 = arith.ori %or3A_689, %convert_element_type3A_706 : vector<32x2048xi32>
    %jit3A_708 = arith.constant -1.000000e+00 : f32
    %broadcast_in_dim3A_709 = vector.broadcast %jit3A_708 : f32 to vector<32x2048xf32>
    %select_n3A_710 = arith.select %eq3A_705, %broadcast_in_dim3A_709, %select_n3A_692 : vector<32x2048xi1>, vector<32x2048xf32>
    %reduce_max3A_711 = arith.constant dense<0xFF800000> : vector<32xf32>
    %reduce_max3A_712 = vector.multi_reduction <maximumf>, %select_n3A_710, %reduce_max3A_711 [1] : vector<32x2048xf32> to vector<32xf32>
    %broadcast_in_dim3A_713 = vector.shape_cast %reduce_max3A_712 : vector<32xf32> to vector<32x1xf32>
    %eq3A_714 = vector.broadcast %broadcast_in_dim3A_713 : vector<32x1xf32> to vector<32x2048xf32>
    %eq3A_715 = arith.cmpf oeq, %select_n3A_710, %eq3A_714 : vector<32x2048xf32>
    %jit3A_716 = arith.constant 2048 : i32
    %broadcast_in_dim3A_717 = vector.broadcast %jit3A_716 : i32 to vector<32x2048xi32>
    %select_n3A_718 = arith.select %eq3A_715, %iota3A, %broadcast_in_dim3A_717 : vector<32x2048xi1>, vector<32x2048xi32>
    %reduce_min3A_719 = arith.constant dense<2147483647> : vector<32xi32>
    %reduce_min3A_720 = vector.multi_reduction <minsi>, %select_n3A_718, %reduce_min3A_719 [1] : vector<32x2048xi32> to vector<32xi32>
    %broadcast_in_dim3A_721 = vector.shape_cast %reduce_min3A_720 : vector<32xi32> to vector<32x1xi32>
    %eq3A_722 = vector.broadcast %broadcast_in_dim3A_721 : vector<32x1xi32> to vector<32x2048xi32>
    %eq3A_723 = arith.cmpi eq, %iota3A, %eq3A_722 : vector<32x2048xi32>
    %convert_element_type3A_724 = arith.extui %eq3A_723 : vector<32x2048xi1> to vector<32x2048xi32>
    %or3A_725 = arith.ori %or3A_707, %convert_element_type3A_724 : vector<32x2048xi32>
    %jit3A_726 = arith.constant -1.000000e+00 : f32
    %broadcast_in_dim3A_727 = vector.broadcast %jit3A_726 : f32 to vector<32x2048xf32>
    %select_n3A_728 = arith.select %eq3A_723, %broadcast_in_dim3A_727, %select_n3A_710 : vector<32x2048xi1>, vector<32x2048xf32>
    %reduce_max3A_729 = arith.constant dense<0xFF800000> : vector<32xf32>
    %reduce_max3A_730 = vector.multi_reduction <maximumf>, %select_n3A_728, %reduce_max3A_729 [1] : vector<32x2048xf32> to vector<32xf32>
    %broadcast_in_dim3A_731 = vector.shape_cast %reduce_max3A_730 : vector<32xf32> to vector<32x1xf32>
    %eq3A_732 = vector.broadcast %broadcast_in_dim3A_731 : vector<32x1xf32> to vector<32x2048xf32>
    %eq3A_733 = arith.cmpf oeq, %select_n3A_728, %eq3A_732 : vector<32x2048xf32>
    %jit3A_734 = arith.constant 2048 : i32
    %broadcast_in_dim3A_735 = vector.broadcast %jit3A_734 : i32 to vector<32x2048xi32>
    %select_n3A_736 = arith.select %eq3A_733, %iota3A, %broadcast_in_dim3A_735 : vector<32x2048xi1>, vector<32x2048xi32>
    %reduce_min3A_737 = arith.constant dense<2147483647> : vector<32xi32>
    %reduce_min3A_738 = vector.multi_reduction <minsi>, %select_n3A_736, %reduce_min3A_737 [1] : vector<32x2048xi32> to vector<32xi32>
    %broadcast_in_dim3A_739 = vector.shape_cast %reduce_min3A_738 : vector<32xi32> to vector<32x1xi32>
    %eq3A_740 = vector.broadcast %broadcast_in_dim3A_739 : vector<32x1xi32> to vector<32x2048xi32>
    %eq3A_741 = arith.cmpi eq, %iota3A, %eq3A_740 : vector<32x2048xi32>
    %convert_element_type3A_742 = arith.extui %eq3A_741 : vector<32x2048xi1> to vector<32x2048xi32>
    %or3A_743 = arith.ori %or3A_725, %convert_element_type3A_742 : vector<32x2048xi32>
    %jit3A_744 = arith.constant -1.000000e+00 : f32
    %broadcast_in_dim3A_745 = vector.broadcast %jit3A_744 : f32 to vector<32x2048xf32>
    %select_n3A_746 = arith.select %eq3A_741, %broadcast_in_dim3A_745, %select_n3A_728 : vector<32x2048xi1>, vector<32x2048xf32>
    %reduce_max3A_747 = arith.constant dense<0xFF800000> : vector<32xf32>
    %reduce_max3A_748 = vector.multi_reduction <maximumf>, %select_n3A_746, %reduce_max3A_747 [1] : vector<32x2048xf32> to vector<32xf32>
    %broadcast_in_dim3A_749 = vector.shape_cast %reduce_max3A_748 : vector<32xf32> to vector<32x1xf32>
    %eq3A_750 = vector.broadcast %broadcast_in_dim3A_749 : vector<32x1xf32> to vector<32x2048xf32>
    %eq3A_751 = arith.cmpf oeq, %select_n3A_746, %eq3A_750 : vector<32x2048xf32>
    %jit3A_752 = arith.constant 2048 : i32
    %broadcast_in_dim3A_753 = vector.broadcast %jit3A_752 : i32 to vector<32x2048xi32>
    %select_n3A_754 = arith.select %eq3A_751, %iota3A, %broadcast_in_dim3A_753 : vector<32x2048xi1>, vector<32x2048xi32>
    %reduce_min3A_755 = arith.constant dense<2147483647> : vector<32xi32>
    %reduce_min3A_756 = vector.multi_reduction <minsi>, %select_n3A_754, %reduce_min3A_755 [1] : vector<32x2048xi32> to vector<32xi32>
    %broadcast_in_dim3A_757 = vector.shape_cast %reduce_min3A_756 : vector<32xi32> to vector<32x1xi32>
    %eq3A_758 = vector.broadcast %broadcast_in_dim3A_757 : vector<32x1xi32> to vector<32x2048xi32>
    %eq3A_759 = arith.cmpi eq, %iota3A, %eq3A_758 : vector<32x2048xi32>
    %convert_element_type3A_760 = arith.extui %eq3A_759 : vector<32x2048xi1> to vector<32x2048xi32>
    %or3A_761 = arith.ori %or3A_743, %convert_element_type3A_760 : vector<32x2048xi32>
    %jit3A_762 = arith.constant -1.000000e+00 : f32
    %broadcast_in_dim3A_763 = vector.broadcast %jit3A_762 : f32 to vector<32x2048xf32>
    %select_n3A_764 = arith.select %eq3A_759, %broadcast_in_dim3A_763, %select_n3A_746 : vector<32x2048xi1>, vector<32x2048xf32>
    %reduce_max3A_765 = arith.constant dense<0xFF800000> : vector<32xf32>
    %reduce_max3A_766 = vector.multi_reduction <maximumf>, %select_n3A_764, %reduce_max3A_765 [1] : vector<32x2048xf32> to vector<32xf32>
    %broadcast_in_dim3A_767 = vector.shape_cast %reduce_max3A_766 : vector<32xf32> to vector<32x1xf32>
    %eq3A_768 = vector.broadcast %broadcast_in_dim3A_767 : vector<32x1xf32> to vector<32x2048xf32>
    %eq3A_769 = arith.cmpf oeq, %select_n3A_764, %eq3A_768 : vector<32x2048xf32>
    %jit3A_770 = arith.constant 2048 : i32
    %broadcast_in_dim3A_771 = vector.broadcast %jit3A_770 : i32 to vector<32x2048xi32>
    %select_n3A_772 = arith.select %eq3A_769, %iota3A, %broadcast_in_dim3A_771 : vector<32x2048xi1>, vector<32x2048xi32>
    %reduce_min3A_773 = arith.constant dense<2147483647> : vector<32xi32>
    %reduce_min3A_774 = vector.multi_reduction <minsi>, %select_n3A_772, %reduce_min3A_773 [1] : vector<32x2048xi32> to vector<32xi32>
    %broadcast_in_dim3A_775 = vector.shape_cast %reduce_min3A_774 : vector<32xi32> to vector<32x1xi32>
    %eq3A_776 = vector.broadcast %broadcast_in_dim3A_775 : vector<32x1xi32> to vector<32x2048xi32>
    %eq3A_777 = arith.cmpi eq, %iota3A, %eq3A_776 : vector<32x2048xi32>
    %convert_element_type3A_778 = arith.extui %eq3A_777 : vector<32x2048xi1> to vector<32x2048xi32>
    %or3A_779 = arith.ori %or3A_761, %convert_element_type3A_778 : vector<32x2048xi32>
    %jit3A_780 = arith.constant -1.000000e+00 : f32
    %broadcast_in_dim3A_781 = vector.broadcast %jit3A_780 : f32 to vector<32x2048xf32>
    %select_n3A_782 = arith.select %eq3A_777, %broadcast_in_dim3A_781, %select_n3A_764 : vector<32x2048xi1>, vector<32x2048xf32>
    %reduce_max3A_783 = arith.constant dense<0xFF800000> : vector<32xf32>
    %reduce_max3A_784 = vector.multi_reduction <maximumf>, %select_n3A_782, %reduce_max3A_783 [1] : vector<32x2048xf32> to vector<32xf32>
    %broadcast_in_dim3A_785 = vector.shape_cast %reduce_max3A_784 : vector<32xf32> to vector<32x1xf32>
    %eq3A_786 = vector.broadcast %broadcast_in_dim3A_785 : vector<32x1xf32> to vector<32x2048xf32>
    %eq3A_787 = arith.cmpf oeq, %select_n3A_782, %eq3A_786 : vector<32x2048xf32>
    %jit3A_788 = arith.constant 2048 : i32
    %broadcast_in_dim3A_789 = vector.broadcast %jit3A_788 : i32 to vector<32x2048xi32>
    %select_n3A_790 = arith.select %eq3A_787, %iota3A, %broadcast_in_dim3A_789 : vector<32x2048xi1>, vector<32x2048xi32>
    %reduce_min3A_791 = arith.constant dense<2147483647> : vector<32xi32>
    %reduce_min3A_792 = vector.multi_reduction <minsi>, %select_n3A_790, %reduce_min3A_791 [1] : vector<32x2048xi32> to vector<32xi32>
    %broadcast_in_dim3A_793 = vector.shape_cast %reduce_min3A_792 : vector<32xi32> to vector<32x1xi32>
    %eq3A_794 = vector.broadcast %broadcast_in_dim3A_793 : vector<32x1xi32> to vector<32x2048xi32>
    %eq3A_795 = arith.cmpi eq, %iota3A, %eq3A_794 : vector<32x2048xi32>
    %convert_element_type3A_796 = arith.extui %eq3A_795 : vector<32x2048xi1> to vector<32x2048xi32>
    %or3A_797 = arith.ori %or3A_779, %convert_element_type3A_796 : vector<32x2048xi32>
    %jit3A_798 = arith.constant -1.000000e+00 : f32
    %broadcast_in_dim3A_799 = vector.broadcast %jit3A_798 : f32 to vector<32x2048xf32>
    %select_n3A_800 = arith.select %eq3A_795, %broadcast_in_dim3A_799, %select_n3A_782 : vector<32x2048xi1>, vector<32x2048xf32>
    %reduce_max3A_801 = arith.constant dense<0xFF800000> : vector<32xf32>
    %reduce_max3A_802 = vector.multi_reduction <maximumf>, %select_n3A_800, %reduce_max3A_801 [1] : vector<32x2048xf32> to vector<32xf32>
    %broadcast_in_dim3A_803 = vector.shape_cast %reduce_max3A_802 : vector<32xf32> to vector<32x1xf32>
    %eq3A_804 = vector.broadcast %broadcast_in_dim3A_803 : vector<32x1xf32> to vector<32x2048xf32>
    %eq3A_805 = arith.cmpf oeq, %select_n3A_800, %eq3A_804 : vector<32x2048xf32>
    %jit3A_806 = arith.constant 2048 : i32
    %broadcast_in_dim3A_807 = vector.broadcast %jit3A_806 : i32 to vector<32x2048xi32>
    %select_n3A_808 = arith.select %eq3A_805, %iota3A, %broadcast_in_dim3A_807 : vector<32x2048xi1>, vector<32x2048xi32>
    %reduce_min3A_809 = arith.constant dense<2147483647> : vector<32xi32>
    %reduce_min3A_810 = vector.multi_reduction <minsi>, %select_n3A_808, %reduce_min3A_809 [1] : vector<32x2048xi32> to vector<32xi32>
    %broadcast_in_dim3A_811 = vector.shape_cast %reduce_min3A_810 : vector<32xi32> to vector<32x1xi32>
    %eq3A_812 = vector.broadcast %broadcast_in_dim3A_811 : vector<32x1xi32> to vector<32x2048xi32>
    %eq3A_813 = arith.cmpi eq, %iota3A, %eq3A_812 : vector<32x2048xi32>
    %convert_element_type3A_814 = arith.extui %eq3A_813 : vector<32x2048xi1> to vector<32x2048xi32>
    %or3A_815 = arith.ori %or3A_797, %convert_element_type3A_814 : vector<32x2048xi32>
    %jit3A_816 = arith.constant -1.000000e+00 : f32
    %broadcast_in_dim3A_817 = vector.broadcast %jit3A_816 : f32 to vector<32x2048xf32>
    %select_n3A_818 = arith.select %eq3A_813, %broadcast_in_dim3A_817, %select_n3A_800 : vector<32x2048xi1>, vector<32x2048xf32>
    %reduce_max3A_819 = arith.constant dense<0xFF800000> : vector<32xf32>
    %reduce_max3A_820 = vector.multi_reduction <maximumf>, %select_n3A_818, %reduce_max3A_819 [1] : vector<32x2048xf32> to vector<32xf32>
    %broadcast_in_dim3A_821 = vector.shape_cast %reduce_max3A_820 : vector<32xf32> to vector<32x1xf32>
    %eq3A_822 = vector.broadcast %broadcast_in_dim3A_821 : vector<32x1xf32> to vector<32x2048xf32>
    %eq3A_823 = arith.cmpf oeq, %select_n3A_818, %eq3A_822 : vector<32x2048xf32>
    %jit3A_824 = arith.constant 2048 : i32
    %broadcast_in_dim3A_825 = vector.broadcast %jit3A_824 : i32 to vector<32x2048xi32>
    %select_n3A_826 = arith.select %eq3A_823, %iota3A, %broadcast_in_dim3A_825 : vector<32x2048xi1>, vector<32x2048xi32>
    %reduce_min3A_827 = arith.constant dense<2147483647> : vector<32xi32>
    %reduce_min3A_828 = vector.multi_reduction <minsi>, %select_n3A_826, %reduce_min3A_827 [1] : vector<32x2048xi32> to vector<32xi32>
    %broadcast_in_dim3A_829 = vector.shape_cast %reduce_min3A_828 : vector<32xi32> to vector<32x1xi32>
    %eq3A_830 = vector.broadcast %broadcast_in_dim3A_829 : vector<32x1xi32> to vector<32x2048xi32>
    %eq3A_831 = arith.cmpi eq, %iota3A, %eq3A_830 : vector<32x2048xi32>
    %convert_element_type3A_832 = arith.extui %eq3A_831 : vector<32x2048xi1> to vector<32x2048xi32>
    %or3A_833 = arith.ori %or3A_815, %convert_element_type3A_832 : vector<32x2048xi32>
    %jit3A_834 = arith.constant -1.000000e+00 : f32
    %broadcast_in_dim3A_835 = vector.broadcast %jit3A_834 : f32 to vector<32x2048xf32>
    %select_n3A_836 = arith.select %eq3A_831, %broadcast_in_dim3A_835, %select_n3A_818 : vector<32x2048xi1>, vector<32x2048xf32>
    %reduce_max3A_837 = arith.constant dense<0xFF800000> : vector<32xf32>
    %reduce_max3A_838 = vector.multi_reduction <maximumf>, %select_n3A_836, %reduce_max3A_837 [1] : vector<32x2048xf32> to vector<32xf32>
    %broadcast_in_dim3A_839 = vector.shape_cast %reduce_max3A_838 : vector<32xf32> to vector<32x1xf32>
    %eq3A_840 = vector.broadcast %broadcast_in_dim3A_839 : vector<32x1xf32> to vector<32x2048xf32>
    %eq3A_841 = arith.cmpf oeq, %select_n3A_836, %eq3A_840 : vector<32x2048xf32>
    %jit3A_842 = arith.constant 2048 : i32
    %broadcast_in_dim3A_843 = vector.broadcast %jit3A_842 : i32 to vector<32x2048xi32>
    %select_n3A_844 = arith.select %eq3A_841, %iota3A, %broadcast_in_dim3A_843 : vector<32x2048xi1>, vector<32x2048xi32>
    %reduce_min3A_845 = arith.constant dense<2147483647> : vector<32xi32>
    %reduce_min3A_846 = vector.multi_reduction <minsi>, %select_n3A_844, %reduce_min3A_845 [1] : vector<32x2048xi32> to vector<32xi32>
    %broadcast_in_dim3A_847 = vector.shape_cast %reduce_min3A_846 : vector<32xi32> to vector<32x1xi32>
    %eq3A_848 = vector.broadcast %broadcast_in_dim3A_847 : vector<32x1xi32> to vector<32x2048xi32>
    %eq3A_849 = arith.cmpi eq, %iota3A, %eq3A_848 : vector<32x2048xi32>
    %convert_element_type3A_850 = arith.extui %eq3A_849 : vector<32x2048xi1> to vector<32x2048xi32>
    %or3A_851 = arith.ori %or3A_833, %convert_element_type3A_850 : vector<32x2048xi32>
    %jit3A_852 = arith.constant -1.000000e+00 : f32
    %broadcast_in_dim3A_853 = vector.broadcast %jit3A_852 : f32 to vector<32x2048xf32>
    %select_n3A_854 = arith.select %eq3A_849, %broadcast_in_dim3A_853, %select_n3A_836 : vector<32x2048xi1>, vector<32x2048xf32>
    %reduce_max3A_855 = arith.constant dense<0xFF800000> : vector<32xf32>
    %reduce_max3A_856 = vector.multi_reduction <maximumf>, %select_n3A_854, %reduce_max3A_855 [1] : vector<32x2048xf32> to vector<32xf32>
    %broadcast_in_dim3A_857 = vector.shape_cast %reduce_max3A_856 : vector<32xf32> to vector<32x1xf32>
    %eq3A_858 = vector.broadcast %broadcast_in_dim3A_857 : vector<32x1xf32> to vector<32x2048xf32>
    %eq3A_859 = arith.cmpf oeq, %select_n3A_854, %eq3A_858 : vector<32x2048xf32>
    %jit3A_860 = arith.constant 2048 : i32
    %broadcast_in_dim3A_861 = vector.broadcast %jit3A_860 : i32 to vector<32x2048xi32>
    %select_n3A_862 = arith.select %eq3A_859, %iota3A, %broadcast_in_dim3A_861 : vector<32x2048xi1>, vector<32x2048xi32>
    %reduce_min3A_863 = arith.constant dense<2147483647> : vector<32xi32>
    %reduce_min3A_864 = vector.multi_reduction <minsi>, %select_n3A_862, %reduce_min3A_863 [1] : vector<32x2048xi32> to vector<32xi32>
    %broadcast_in_dim3A_865 = vector.shape_cast %reduce_min3A_864 : vector<32xi32> to vector<32x1xi32>
    %eq3A_866 = vector.broadcast %broadcast_in_dim3A_865 : vector<32x1xi32> to vector<32x2048xi32>
    %eq3A_867 = arith.cmpi eq, %iota3A, %eq3A_866 : vector<32x2048xi32>
    %convert_element_type3A_868 = arith.extui %eq3A_867 : vector<32x2048xi1> to vector<32x2048xi32>
    %or3A_869 = arith.ori %or3A_851, %convert_element_type3A_868 : vector<32x2048xi32>
    %jit3A_870 = arith.constant -1.000000e+00 : f32
    %broadcast_in_dim3A_871 = vector.broadcast %jit3A_870 : f32 to vector<32x2048xf32>
    %select_n3A_872 = arith.select %eq3A_867, %broadcast_in_dim3A_871, %select_n3A_854 : vector<32x2048xi1>, vector<32x2048xf32>
    %reduce_max3A_873 = arith.constant dense<0xFF800000> : vector<32xf32>
    %reduce_max3A_874 = vector.multi_reduction <maximumf>, %select_n3A_872, %reduce_max3A_873 [1] : vector<32x2048xf32> to vector<32xf32>
    %broadcast_in_dim3A_875 = vector.shape_cast %reduce_max3A_874 : vector<32xf32> to vector<32x1xf32>
    %eq3A_876 = vector.broadcast %broadcast_in_dim3A_875 : vector<32x1xf32> to vector<32x2048xf32>
    %eq3A_877 = arith.cmpf oeq, %select_n3A_872, %eq3A_876 : vector<32x2048xf32>
    %jit3A_878 = arith.constant 2048 : i32
    %broadcast_in_dim3A_879 = vector.broadcast %jit3A_878 : i32 to vector<32x2048xi32>
    %select_n3A_880 = arith.select %eq3A_877, %iota3A, %broadcast_in_dim3A_879 : vector<32x2048xi1>, vector<32x2048xi32>
    %reduce_min3A_881 = arith.constant dense<2147483647> : vector<32xi32>
    %reduce_min3A_882 = vector.multi_reduction <minsi>, %select_n3A_880, %reduce_min3A_881 [1] : vector<32x2048xi32> to vector<32xi32>
    %broadcast_in_dim3A_883 = vector.shape_cast %reduce_min3A_882 : vector<32xi32> to vector<32x1xi32>
    %eq3A_884 = vector.broadcast %broadcast_in_dim3A_883 : vector<32x1xi32> to vector<32x2048xi32>
    %eq3A_885 = arith.cmpi eq, %iota3A, %eq3A_884 : vector<32x2048xi32>
    %convert_element_type3A_886 = arith.extui %eq3A_885 : vector<32x2048xi1> to vector<32x2048xi32>
    %or3A_887 = arith.ori %or3A_869, %convert_element_type3A_886 : vector<32x2048xi32>
    %jit3A_888 = arith.constant -1.000000e+00 : f32
    %broadcast_in_dim3A_889 = vector.broadcast %jit3A_888 : f32 to vector<32x2048xf32>
    %select_n3A_890 = arith.select %eq3A_885, %broadcast_in_dim3A_889, %select_n3A_872 : vector<32x2048xi1>, vector<32x2048xf32>
    %reduce_max3A_891 = arith.constant dense<0xFF800000> : vector<32xf32>
    %reduce_max3A_892 = vector.multi_reduction <maximumf>, %select_n3A_890, %reduce_max3A_891 [1] : vector<32x2048xf32> to vector<32xf32>
    %broadcast_in_dim3A_893 = vector.shape_cast %reduce_max3A_892 : vector<32xf32> to vector<32x1xf32>
    %eq3A_894 = vector.broadcast %broadcast_in_dim3A_893 : vector<32x1xf32> to vector<32x2048xf32>
    %eq3A_895 = arith.cmpf oeq, %select_n3A_890, %eq3A_894 : vector<32x2048xf32>
    %jit3A_896 = arith.constant 2048 : i32
    %broadcast_in_dim3A_897 = vector.broadcast %jit3A_896 : i32 to vector<32x2048xi32>
    %select_n3A_898 = arith.select %eq3A_895, %iota3A, %broadcast_in_dim3A_897 : vector<32x2048xi1>, vector<32x2048xi32>
    %reduce_min3A_899 = arith.constant dense<2147483647> : vector<32xi32>
    %reduce_min3A_900 = vector.multi_reduction <minsi>, %select_n3A_898, %reduce_min3A_899 [1] : vector<32x2048xi32> to vector<32xi32>
    %broadcast_in_dim3A_901 = vector.shape_cast %reduce_min3A_900 : vector<32xi32> to vector<32x1xi32>
    %eq3A_902 = vector.broadcast %broadcast_in_dim3A_901 : vector<32x1xi32> to vector<32x2048xi32>
    %eq3A_903 = arith.cmpi eq, %iota3A, %eq3A_902 : vector<32x2048xi32>
    %convert_element_type3A_904 = arith.extui %eq3A_903 : vector<32x2048xi1> to vector<32x2048xi32>
    %or3A_905 = arith.ori %or3A_887, %convert_element_type3A_904 : vector<32x2048xi32>
    %jit3A_906 = arith.constant -1.000000e+00 : f32
    %broadcast_in_dim3A_907 = vector.broadcast %jit3A_906 : f32 to vector<32x2048xf32>
    %select_n3A_908 = arith.select %eq3A_903, %broadcast_in_dim3A_907, %select_n3A_890 : vector<32x2048xi1>, vector<32x2048xf32>
    %reduce_max3A_909 = arith.constant dense<0xFF800000> : vector<32xf32>
    %reduce_max3A_910 = vector.multi_reduction <maximumf>, %select_n3A_908, %reduce_max3A_909 [1] : vector<32x2048xf32> to vector<32xf32>
    %broadcast_in_dim3A_911 = vector.shape_cast %reduce_max3A_910 : vector<32xf32> to vector<32x1xf32>
    %eq3A_912 = vector.broadcast %broadcast_in_dim3A_911 : vector<32x1xf32> to vector<32x2048xf32>
    %eq3A_913 = arith.cmpf oeq, %select_n3A_908, %eq3A_912 : vector<32x2048xf32>
    %jit3A_914 = arith.constant 2048 : i32
    %broadcast_in_dim3A_915 = vector.broadcast %jit3A_914 : i32 to vector<32x2048xi32>
    %select_n3A_916 = arith.select %eq3A_913, %iota3A, %broadcast_in_dim3A_915 : vector<32x2048xi1>, vector<32x2048xi32>
    %reduce_min3A_917 = arith.constant dense<2147483647> : vector<32xi32>
    %reduce_min3A_918 = vector.multi_reduction <minsi>, %select_n3A_916, %reduce_min3A_917 [1] : vector<32x2048xi32> to vector<32xi32>
    %broadcast_in_dim3A_919 = vector.shape_cast %reduce_min3A_918 : vector<32xi32> to vector<32x1xi32>
    %eq3A_920 = vector.broadcast %broadcast_in_dim3A_919 : vector<32x1xi32> to vector<32x2048xi32>
    %eq3A_921 = arith.cmpi eq, %iota3A, %eq3A_920 : vector<32x2048xi32>
    %convert_element_type3A_922 = arith.extui %eq3A_921 : vector<32x2048xi1> to vector<32x2048xi32>
    %or3A_923 = arith.ori %or3A_905, %convert_element_type3A_922 : vector<32x2048xi32>
    %jit3A_924 = arith.constant -1.000000e+00 : f32
    %broadcast_in_dim3A_925 = vector.broadcast %jit3A_924 : f32 to vector<32x2048xf32>
    %select_n3A_926 = arith.select %eq3A_921, %broadcast_in_dim3A_925, %select_n3A_908 : vector<32x2048xi1>, vector<32x2048xf32>
    %reduce_max3A_927 = arith.constant dense<0xFF800000> : vector<32xf32>
    %reduce_max3A_928 = vector.multi_reduction <maximumf>, %select_n3A_926, %reduce_max3A_927 [1] : vector<32x2048xf32> to vector<32xf32>
    %broadcast_in_dim3A_929 = vector.shape_cast %reduce_max3A_928 : vector<32xf32> to vector<32x1xf32>
    %eq3A_930 = vector.broadcast %broadcast_in_dim3A_929 : vector<32x1xf32> to vector<32x2048xf32>
    %eq3A_931 = arith.cmpf oeq, %select_n3A_926, %eq3A_930 : vector<32x2048xf32>
    %jit3A_932 = arith.constant 2048 : i32
    %broadcast_in_dim3A_933 = vector.broadcast %jit3A_932 : i32 to vector<32x2048xi32>
    %select_n3A_934 = arith.select %eq3A_931, %iota3A, %broadcast_in_dim3A_933 : vector<32x2048xi1>, vector<32x2048xi32>
    %reduce_min3A_935 = arith.constant dense<2147483647> : vector<32xi32>
    %reduce_min3A_936 = vector.multi_reduction <minsi>, %select_n3A_934, %reduce_min3A_935 [1] : vector<32x2048xi32> to vector<32xi32>
    %broadcast_in_dim3A_937 = vector.shape_cast %reduce_min3A_936 : vector<32xi32> to vector<32x1xi32>
    %eq3A_938 = vector.broadcast %broadcast_in_dim3A_937 : vector<32x1xi32> to vector<32x2048xi32>
    %eq3A_939 = arith.cmpi eq, %iota3A, %eq3A_938 : vector<32x2048xi32>
    %convert_element_type3A_940 = arith.extui %eq3A_939 : vector<32x2048xi1> to vector<32x2048xi32>
    %or3A_941 = arith.ori %or3A_923, %convert_element_type3A_940 : vector<32x2048xi32>
    %jit3A_942 = arith.constant -1.000000e+00 : f32
    %broadcast_in_dim3A_943 = vector.broadcast %jit3A_942 : f32 to vector<32x2048xf32>
    %select_n3A_944 = arith.select %eq3A_939, %broadcast_in_dim3A_943, %select_n3A_926 : vector<32x2048xi1>, vector<32x2048xf32>
    %reduce_max3A_945 = arith.constant dense<0xFF800000> : vector<32xf32>
    %reduce_max3A_946 = vector.multi_reduction <maximumf>, %select_n3A_944, %reduce_max3A_945 [1] : vector<32x2048xf32> to vector<32xf32>
    %broadcast_in_dim3A_947 = vector.shape_cast %reduce_max3A_946 : vector<32xf32> to vector<32x1xf32>
    %eq3A_948 = vector.broadcast %broadcast_in_dim3A_947 : vector<32x1xf32> to vector<32x2048xf32>
    %eq3A_949 = arith.cmpf oeq, %select_n3A_944, %eq3A_948 : vector<32x2048xf32>
    %jit3A_950 = arith.constant 2048 : i32
    %broadcast_in_dim3A_951 = vector.broadcast %jit3A_950 : i32 to vector<32x2048xi32>
    %select_n3A_952 = arith.select %eq3A_949, %iota3A, %broadcast_in_dim3A_951 : vector<32x2048xi1>, vector<32x2048xi32>
    %reduce_min3A_953 = arith.constant dense<2147483647> : vector<32xi32>
    %reduce_min3A_954 = vector.multi_reduction <minsi>, %select_n3A_952, %reduce_min3A_953 [1] : vector<32x2048xi32> to vector<32xi32>
    %broadcast_in_dim3A_955 = vector.shape_cast %reduce_min3A_954 : vector<32xi32> to vector<32x1xi32>
    %eq3A_956 = vector.broadcast %broadcast_in_dim3A_955 : vector<32x1xi32> to vector<32x2048xi32>
    %eq3A_957 = arith.cmpi eq, %iota3A, %eq3A_956 : vector<32x2048xi32>
    %convert_element_type3A_958 = arith.extui %eq3A_957 : vector<32x2048xi1> to vector<32x2048xi32>
    %or3A_959 = arith.ori %or3A_941, %convert_element_type3A_958 : vector<32x2048xi32>
    %jit3A_960 = arith.constant -1.000000e+00 : f32
    %broadcast_in_dim3A_961 = vector.broadcast %jit3A_960 : f32 to vector<32x2048xf32>
    %select_n3A_962 = arith.select %eq3A_957, %broadcast_in_dim3A_961, %select_n3A_944 : vector<32x2048xi1>, vector<32x2048xf32>
    %reduce_max3A_963 = arith.constant dense<0xFF800000> : vector<32xf32>
    %reduce_max3A_964 = vector.multi_reduction <maximumf>, %select_n3A_962, %reduce_max3A_963 [1] : vector<32x2048xf32> to vector<32xf32>
    %broadcast_in_dim3A_965 = vector.shape_cast %reduce_max3A_964 : vector<32xf32> to vector<32x1xf32>
    %eq3A_966 = vector.broadcast %broadcast_in_dim3A_965 : vector<32x1xf32> to vector<32x2048xf32>
    %eq3A_967 = arith.cmpf oeq, %select_n3A_962, %eq3A_966 : vector<32x2048xf32>
    %jit3A_968 = arith.constant 2048 : i32
    %broadcast_in_dim3A_969 = vector.broadcast %jit3A_968 : i32 to vector<32x2048xi32>
    %select_n3A_970 = arith.select %eq3A_967, %iota3A, %broadcast_in_dim3A_969 : vector<32x2048xi1>, vector<32x2048xi32>
    %reduce_min3A_971 = arith.constant dense<2147483647> : vector<32xi32>
    %reduce_min3A_972 = vector.multi_reduction <minsi>, %select_n3A_970, %reduce_min3A_971 [1] : vector<32x2048xi32> to vector<32xi32>
    %broadcast_in_dim3A_973 = vector.shape_cast %reduce_min3A_972 : vector<32xi32> to vector<32x1xi32>
    %eq3A_974 = vector.broadcast %broadcast_in_dim3A_973 : vector<32x1xi32> to vector<32x2048xi32>
    %eq3A_975 = arith.cmpi eq, %iota3A, %eq3A_974 : vector<32x2048xi32>
    %convert_element_type3A_976 = arith.extui %eq3A_975 : vector<32x2048xi1> to vector<32x2048xi32>
    %or3A_977 = arith.ori %or3A_959, %convert_element_type3A_976 : vector<32x2048xi32>
    %jit3A_978 = arith.constant -1.000000e+00 : f32
    %broadcast_in_dim3A_979 = vector.broadcast %jit3A_978 : f32 to vector<32x2048xf32>
    %select_n3A_980 = arith.select %eq3A_975, %broadcast_in_dim3A_979, %select_n3A_962 : vector<32x2048xi1>, vector<32x2048xf32>
    %reduce_max3A_981 = arith.constant dense<0xFF800000> : vector<32xf32>
    %reduce_max3A_982 = vector.multi_reduction <maximumf>, %select_n3A_980, %reduce_max3A_981 [1] : vector<32x2048xf32> to vector<32xf32>
    %broadcast_in_dim3A_983 = vector.shape_cast %reduce_max3A_982 : vector<32xf32> to vector<32x1xf32>
    %eq3A_984 = vector.broadcast %broadcast_in_dim3A_983 : vector<32x1xf32> to vector<32x2048xf32>
    %eq3A_985 = arith.cmpf oeq, %select_n3A_980, %eq3A_984 : vector<32x2048xf32>
    %jit3A_986 = arith.constant 2048 : i32
    %broadcast_in_dim3A_987 = vector.broadcast %jit3A_986 : i32 to vector<32x2048xi32>
    %select_n3A_988 = arith.select %eq3A_985, %iota3A, %broadcast_in_dim3A_987 : vector<32x2048xi1>, vector<32x2048xi32>
    %reduce_min3A_989 = arith.constant dense<2147483647> : vector<32xi32>
    %reduce_min3A_990 = vector.multi_reduction <minsi>, %select_n3A_988, %reduce_min3A_989 [1] : vector<32x2048xi32> to vector<32xi32>
    %broadcast_in_dim3A_991 = vector.shape_cast %reduce_min3A_990 : vector<32xi32> to vector<32x1xi32>
    %eq3A_992 = vector.broadcast %broadcast_in_dim3A_991 : vector<32x1xi32> to vector<32x2048xi32>
    %eq3A_993 = arith.cmpi eq, %iota3A, %eq3A_992 : vector<32x2048xi32>
    %convert_element_type3A_994 = arith.extui %eq3A_993 : vector<32x2048xi1> to vector<32x2048xi32>
    %or3A_995 = arith.ori %or3A_977, %convert_element_type3A_994 : vector<32x2048xi32>
    %jit3A_996 = arith.constant -1.000000e+00 : f32
    %broadcast_in_dim3A_997 = vector.broadcast %jit3A_996 : f32 to vector<32x2048xf32>
    %select_n3A_998 = arith.select %eq3A_993, %broadcast_in_dim3A_997, %select_n3A_980 : vector<32x2048xi1>, vector<32x2048xf32>
    %reduce_max3A_999 = arith.constant dense<0xFF800000> : vector<32xf32>
    %reduce_max3A_1000 = vector.multi_reduction <maximumf>, %select_n3A_998, %reduce_max3A_999 [1] : vector<32x2048xf32> to vector<32xf32>
    %broadcast_in_dim3A_1001 = vector.shape_cast %reduce_max3A_1000 : vector<32xf32> to vector<32x1xf32>
    %eq3A_1002 = vector.broadcast %broadcast_in_dim3A_1001 : vector<32x1xf32> to vector<32x2048xf32>
    %eq3A_1003 = arith.cmpf oeq, %select_n3A_998, %eq3A_1002 : vector<32x2048xf32>
    %jit3A_1004 = arith.constant 2048 : i32
    %broadcast_in_dim3A_1005 = vector.broadcast %jit3A_1004 : i32 to vector<32x2048xi32>
    %select_n3A_1006 = arith.select %eq3A_1003, %iota3A, %broadcast_in_dim3A_1005 : vector<32x2048xi1>, vector<32x2048xi32>
    %reduce_min3A_1007 = arith.constant dense<2147483647> : vector<32xi32>
    %reduce_min3A_1008 = vector.multi_reduction <minsi>, %select_n3A_1006, %reduce_min3A_1007 [1] : vector<32x2048xi32> to vector<32xi32>
    %broadcast_in_dim3A_1009 = vector.shape_cast %reduce_min3A_1008 : vector<32xi32> to vector<32x1xi32>
    %eq3A_1010 = vector.broadcast %broadcast_in_dim3A_1009 : vector<32x1xi32> to vector<32x2048xi32>
    %eq3A_1011 = arith.cmpi eq, %iota3A, %eq3A_1010 : vector<32x2048xi32>
    %convert_element_type3A_1012 = arith.extui %eq3A_1011 : vector<32x2048xi1> to vector<32x2048xi32>
    %or3A_1013 = arith.ori %or3A_995, %convert_element_type3A_1012 : vector<32x2048xi32>
    %jit3A_1014 = arith.constant -1.000000e+00 : f32
    %broadcast_in_dim3A_1015 = vector.broadcast %jit3A_1014 : f32 to vector<32x2048xf32>
    %select_n3A_1016 = arith.select %eq3A_1011, %broadcast_in_dim3A_1015, %select_n3A_998 : vector<32x2048xi1>, vector<32x2048xf32>
    %reduce_max3A_1017 = arith.constant dense<0xFF800000> : vector<32xf32>
    %reduce_max3A_1018 = vector.multi_reduction <maximumf>, %select_n3A_1016, %reduce_max3A_1017 [1] : vector<32x2048xf32> to vector<32xf32>
    %broadcast_in_dim3A_1019 = vector.shape_cast %reduce_max3A_1018 : vector<32xf32> to vector<32x1xf32>
    %eq3A_1020 = vector.broadcast %broadcast_in_dim3A_1019 : vector<32x1xf32> to vector<32x2048xf32>
    %eq3A_1021 = arith.cmpf oeq, %select_n3A_1016, %eq3A_1020 : vector<32x2048xf32>
    %jit3A_1022 = arith.constant 2048 : i32
    %broadcast_in_dim3A_1023 = vector.broadcast %jit3A_1022 : i32 to vector<32x2048xi32>
    %select_n3A_1024 = arith.select %eq3A_1021, %iota3A, %broadcast_in_dim3A_1023 : vector<32x2048xi1>, vector<32x2048xi32>
    %reduce_min3A_1025 = arith.constant dense<2147483647> : vector<32xi32>
    %reduce_min3A_1026 = vector.multi_reduction <minsi>, %select_n3A_1024, %reduce_min3A_1025 [1] : vector<32x2048xi32> to vector<32xi32>
    %broadcast_in_dim3A_1027 = vector.shape_cast %reduce_min3A_1026 : vector<32xi32> to vector<32x1xi32>
    %eq3A_1028 = vector.broadcast %broadcast_in_dim3A_1027 : vector<32x1xi32> to vector<32x2048xi32>
    %eq3A_1029 = arith.cmpi eq, %iota3A, %eq3A_1028 : vector<32x2048xi32>
    %convert_element_type3A_1030 = arith.extui %eq3A_1029 : vector<32x2048xi1> to vector<32x2048xi32>
    %or3A_1031 = arith.ori %or3A_1013, %convert_element_type3A_1030 : vector<32x2048xi32>
    %jit3A_1032 = arith.constant -1.000000e+00 : f32
    %broadcast_in_dim3A_1033 = vector.broadcast %jit3A_1032 : f32 to vector<32x2048xf32>
    %select_n3A_1034 = arith.select %eq3A_1029, %broadcast_in_dim3A_1033, %select_n3A_1016 : vector<32x2048xi1>, vector<32x2048xf32>
    %reduce_max3A_1035 = arith.constant dense<0xFF800000> : vector<32xf32>
    %reduce_max3A_1036 = vector.multi_reduction <maximumf>, %select_n3A_1034, %reduce_max3A_1035 [1] : vector<32x2048xf32> to vector<32xf32>
    %broadcast_in_dim3A_1037 = vector.shape_cast %reduce_max3A_1036 : vector<32xf32> to vector<32x1xf32>
    %eq3A_1038 = vector.broadcast %broadcast_in_dim3A_1037 : vector<32x1xf32> to vector<32x2048xf32>
    %eq3A_1039 = arith.cmpf oeq, %select_n3A_1034, %eq3A_1038 : vector<32x2048xf32>
    %jit3A_1040 = arith.constant 2048 : i32
    %broadcast_in_dim3A_1041 = vector.broadcast %jit3A_1040 : i32 to vector<32x2048xi32>
    %select_n3A_1042 = arith.select %eq3A_1039, %iota3A, %broadcast_in_dim3A_1041 : vector<32x2048xi1>, vector<32x2048xi32>
    %reduce_min3A_1043 = arith.constant dense<2147483647> : vector<32xi32>
    %reduce_min3A_1044 = vector.multi_reduction <minsi>, %select_n3A_1042, %reduce_min3A_1043 [1] : vector<32x2048xi32> to vector<32xi32>
    %broadcast_in_dim3A_1045 = vector.shape_cast %reduce_min3A_1044 : vector<32xi32> to vector<32x1xi32>
    %eq3A_1046 = vector.broadcast %broadcast_in_dim3A_1045 : vector<32x1xi32> to vector<32x2048xi32>
    %eq3A_1047 = arith.cmpi eq, %iota3A, %eq3A_1046 : vector<32x2048xi32>
    %convert_element_type3A_1048 = arith.extui %eq3A_1047 : vector<32x2048xi1> to vector<32x2048xi32>
    %or3A_1049 = arith.ori %or3A_1031, %convert_element_type3A_1048 : vector<32x2048xi32>
    %jit3A_1050 = arith.constant -1.000000e+00 : f32
    %broadcast_in_dim3A_1051 = vector.broadcast %jit3A_1050 : f32 to vector<32x2048xf32>
    %select_n3A_1052 = arith.select %eq3A_1047, %broadcast_in_dim3A_1051, %select_n3A_1034 : vector<32x2048xi1>, vector<32x2048xf32>
    %reduce_max3A_1053 = arith.constant dense<0xFF800000> : vector<32xf32>
    %reduce_max3A_1054 = vector.multi_reduction <maximumf>, %select_n3A_1052, %reduce_max3A_1053 [1] : vector<32x2048xf32> to vector<32xf32>
    %broadcast_in_dim3A_1055 = vector.shape_cast %reduce_max3A_1054 : vector<32xf32> to vector<32x1xf32>
    %eq3A_1056 = vector.broadcast %broadcast_in_dim3A_1055 : vector<32x1xf32> to vector<32x2048xf32>
    %eq3A_1057 = arith.cmpf oeq, %select_n3A_1052, %eq3A_1056 : vector<32x2048xf32>
    %jit3A_1058 = arith.constant 2048 : i32
    %broadcast_in_dim3A_1059 = vector.broadcast %jit3A_1058 : i32 to vector<32x2048xi32>
    %select_n3A_1060 = arith.select %eq3A_1057, %iota3A, %broadcast_in_dim3A_1059 : vector<32x2048xi1>, vector<32x2048xi32>
    %reduce_min3A_1061 = arith.constant dense<2147483647> : vector<32xi32>
    %reduce_min3A_1062 = vector.multi_reduction <minsi>, %select_n3A_1060, %reduce_min3A_1061 [1] : vector<32x2048xi32> to vector<32xi32>
    %broadcast_in_dim3A_1063 = vector.shape_cast %reduce_min3A_1062 : vector<32xi32> to vector<32x1xi32>
    %eq3A_1064 = vector.broadcast %broadcast_in_dim3A_1063 : vector<32x1xi32> to vector<32x2048xi32>
    %eq3A_1065 = arith.cmpi eq, %iota3A, %eq3A_1064 : vector<32x2048xi32>
    %convert_element_type3A_1066 = arith.extui %eq3A_1065 : vector<32x2048xi1> to vector<32x2048xi32>
    %or3A_1067 = arith.ori %or3A_1049, %convert_element_type3A_1066 : vector<32x2048xi32>
    %jit3A_1068 = arith.constant -1.000000e+00 : f32
    %broadcast_in_dim3A_1069 = vector.broadcast %jit3A_1068 : f32 to vector<32x2048xf32>
    %select_n3A_1070 = arith.select %eq3A_1065, %broadcast_in_dim3A_1069, %select_n3A_1052 : vector<32x2048xi1>, vector<32x2048xf32>
    %reduce_max3A_1071 = arith.constant dense<0xFF800000> : vector<32xf32>
    %reduce_max3A_1072 = vector.multi_reduction <maximumf>, %select_n3A_1070, %reduce_max3A_1071 [1] : vector<32x2048xf32> to vector<32xf32>
    %broadcast_in_dim3A_1073 = vector.shape_cast %reduce_max3A_1072 : vector<32xf32> to vector<32x1xf32>
    %eq3A_1074 = vector.broadcast %broadcast_in_dim3A_1073 : vector<32x1xf32> to vector<32x2048xf32>
    %eq3A_1075 = arith.cmpf oeq, %select_n3A_1070, %eq3A_1074 : vector<32x2048xf32>
    %jit3A_1076 = arith.constant 2048 : i32
    %broadcast_in_dim3A_1077 = vector.broadcast %jit3A_1076 : i32 to vector<32x2048xi32>
    %select_n3A_1078 = arith.select %eq3A_1075, %iota3A, %broadcast_in_dim3A_1077 : vector<32x2048xi1>, vector<32x2048xi32>
    %reduce_min3A_1079 = arith.constant dense<2147483647> : vector<32xi32>
    %reduce_min3A_1080 = vector.multi_reduction <minsi>, %select_n3A_1078, %reduce_min3A_1079 [1] : vector<32x2048xi32> to vector<32xi32>
    %broadcast_in_dim3A_1081 = vector.shape_cast %reduce_min3A_1080 : vector<32xi32> to vector<32x1xi32>
    %eq3A_1082 = vector.broadcast %broadcast_in_dim3A_1081 : vector<32x1xi32> to vector<32x2048xi32>
    %eq3A_1083 = arith.cmpi eq, %iota3A, %eq3A_1082 : vector<32x2048xi32>
    %convert_element_type3A_1084 = arith.extui %eq3A_1083 : vector<32x2048xi1> to vector<32x2048xi32>
    %or3A_1085 = arith.ori %or3A_1067, %convert_element_type3A_1084 : vector<32x2048xi32>
    %jit3A_1086 = arith.constant -1.000000e+00 : f32
    %broadcast_in_dim3A_1087 = vector.broadcast %jit3A_1086 : f32 to vector<32x2048xf32>
    %select_n3A_1088 = arith.select %eq3A_1083, %broadcast_in_dim3A_1087, %select_n3A_1070 : vector<32x2048xi1>, vector<32x2048xf32>
    %reduce_max3A_1089 = arith.constant dense<0xFF800000> : vector<32xf32>
    %reduce_max3A_1090 = vector.multi_reduction <maximumf>, %select_n3A_1088, %reduce_max3A_1089 [1] : vector<32x2048xf32> to vector<32xf32>
    %broadcast_in_dim3A_1091 = vector.shape_cast %reduce_max3A_1090 : vector<32xf32> to vector<32x1xf32>
    %eq3A_1092 = vector.broadcast %broadcast_in_dim3A_1091 : vector<32x1xf32> to vector<32x2048xf32>
    %eq3A_1093 = arith.cmpf oeq, %select_n3A_1088, %eq3A_1092 : vector<32x2048xf32>
    %jit3A_1094 = arith.constant 2048 : i32
    %broadcast_in_dim3A_1095 = vector.broadcast %jit3A_1094 : i32 to vector<32x2048xi32>
    %select_n3A_1096 = arith.select %eq3A_1093, %iota3A, %broadcast_in_dim3A_1095 : vector<32x2048xi1>, vector<32x2048xi32>
    %reduce_min3A_1097 = arith.constant dense<2147483647> : vector<32xi32>
    %reduce_min3A_1098 = vector.multi_reduction <minsi>, %select_n3A_1096, %reduce_min3A_1097 [1] : vector<32x2048xi32> to vector<32xi32>
    %broadcast_in_dim3A_1099 = vector.shape_cast %reduce_min3A_1098 : vector<32xi32> to vector<32x1xi32>
    %eq3A_1100 = vector.broadcast %broadcast_in_dim3A_1099 : vector<32x1xi32> to vector<32x2048xi32>
    %eq3A_1101 = arith.cmpi eq, %iota3A, %eq3A_1100 : vector<32x2048xi32>
    %convert_element_type3A_1102 = arith.extui %eq3A_1101 : vector<32x2048xi1> to vector<32x2048xi32>
    %or3A_1103 = arith.ori %or3A_1085, %convert_element_type3A_1102 : vector<32x2048xi32>
    %jit3A_1104 = arith.constant -1.000000e+00 : f32
    %broadcast_in_dim3A_1105 = vector.broadcast %jit3A_1104 : f32 to vector<32x2048xf32>
    %select_n3A_1106 = arith.select %eq3A_1101, %broadcast_in_dim3A_1105, %select_n3A_1088 : vector<32x2048xi1>, vector<32x2048xf32>
    %reduce_max3A_1107 = arith.constant dense<0xFF800000> : vector<32xf32>
    %reduce_max3A_1108 = vector.multi_reduction <maximumf>, %select_n3A_1106, %reduce_max3A_1107 [1] : vector<32x2048xf32> to vector<32xf32>
    %broadcast_in_dim3A_1109 = vector.shape_cast %reduce_max3A_1108 : vector<32xf32> to vector<32x1xf32>
    %eq3A_1110 = vector.broadcast %broadcast_in_dim3A_1109 : vector<32x1xf32> to vector<32x2048xf32>
    %eq3A_1111 = arith.cmpf oeq, %select_n3A_1106, %eq3A_1110 : vector<32x2048xf32>
    %jit3A_1112 = arith.constant 2048 : i32
    %broadcast_in_dim3A_1113 = vector.broadcast %jit3A_1112 : i32 to vector<32x2048xi32>
    %select_n3A_1114 = arith.select %eq3A_1111, %iota3A, %broadcast_in_dim3A_1113 : vector<32x2048xi1>, vector<32x2048xi32>
    %reduce_min3A_1115 = arith.constant dense<2147483647> : vector<32xi32>
    %reduce_min3A_1116 = vector.multi_reduction <minsi>, %select_n3A_1114, %reduce_min3A_1115 [1] : vector<32x2048xi32> to vector<32xi32>
    %broadcast_in_dim3A_1117 = vector.shape_cast %reduce_min3A_1116 : vector<32xi32> to vector<32x1xi32>
    %eq3A_1118 = vector.broadcast %broadcast_in_dim3A_1117 : vector<32x1xi32> to vector<32x2048xi32>
    %eq3A_1119 = arith.cmpi eq, %iota3A, %eq3A_1118 : vector<32x2048xi32>
    %convert_element_type3A_1120 = arith.extui %eq3A_1119 : vector<32x2048xi1> to vector<32x2048xi32>
    %or3A_1121 = arith.ori %or3A_1103, %convert_element_type3A_1120 : vector<32x2048xi32>
    %jit3A_1122 = arith.constant -1.000000e+00 : f32
    %broadcast_in_dim3A_1123 = vector.broadcast %jit3A_1122 : f32 to vector<32x2048xf32>
    %select_n3A_1124 = arith.select %eq3A_1119, %broadcast_in_dim3A_1123, %select_n3A_1106 : vector<32x2048xi1>, vector<32x2048xf32>
    %reduce_max3A_1125 = arith.constant dense<0xFF800000> : vector<32xf32>
    %reduce_max3A_1126 = vector.multi_reduction <maximumf>, %select_n3A_1124, %reduce_max3A_1125 [1] : vector<32x2048xf32> to vector<32xf32>
    %broadcast_in_dim3A_1127 = vector.shape_cast %reduce_max3A_1126 : vector<32xf32> to vector<32x1xf32>
    %eq3A_1128 = vector.broadcast %broadcast_in_dim3A_1127 : vector<32x1xf32> to vector<32x2048xf32>
    %eq3A_1129 = arith.cmpf oeq, %select_n3A_1124, %eq3A_1128 : vector<32x2048xf32>
    %jit3A_1130 = arith.constant 2048 : i32
    %broadcast_in_dim3A_1131 = vector.broadcast %jit3A_1130 : i32 to vector<32x2048xi32>
    %select_n3A_1132 = arith.select %eq3A_1129, %iota3A, %broadcast_in_dim3A_1131 : vector<32x2048xi1>, vector<32x2048xi32>
    %reduce_min3A_1133 = arith.constant dense<2147483647> : vector<32xi32>
    %reduce_min3A_1134 = vector.multi_reduction <minsi>, %select_n3A_1132, %reduce_min3A_1133 [1] : vector<32x2048xi32> to vector<32xi32>
    %broadcast_in_dim3A_1135 = vector.shape_cast %reduce_min3A_1134 : vector<32xi32> to vector<32x1xi32>
    %eq3A_1136 = vector.broadcast %broadcast_in_dim3A_1135 : vector<32x1xi32> to vector<32x2048xi32>
    %eq3A_1137 = arith.cmpi eq, %iota3A, %eq3A_1136 : vector<32x2048xi32>
    %convert_element_type3A_1138 = arith.extui %eq3A_1137 : vector<32x2048xi1> to vector<32x2048xi32>
    %or3A_1139 = arith.ori %or3A_1121, %convert_element_type3A_1138 : vector<32x2048xi32>
    %jit3A_1140 = arith.constant -1.000000e+00 : f32
    %broadcast_in_dim3A_1141 = vector.broadcast %jit3A_1140 : f32 to vector<32x2048xf32>
    %select_n3A_1142 = arith.select %eq3A_1137, %broadcast_in_dim3A_1141, %select_n3A_1124 : vector<32x2048xi1>, vector<32x2048xf32>
    %reduce_max3A_1143 = arith.constant dense<0xFF800000> : vector<32xf32>
    %reduce_max3A_1144 = vector.multi_reduction <maximumf>, %select_n3A_1142, %reduce_max3A_1143 [1] : vector<32x2048xf32> to vector<32xf32>
    %broadcast_in_dim3A_1145 = vector.shape_cast %reduce_max3A_1144 : vector<32xf32> to vector<32x1xf32>
    %eq3A_1146 = vector.broadcast %broadcast_in_dim3A_1145 : vector<32x1xf32> to vector<32x2048xf32>
    %eq3A_1147 = arith.cmpf oeq, %select_n3A_1142, %eq3A_1146 : vector<32x2048xf32>
    %jit3A_1148 = arith.constant 2048 : i32
    %broadcast_in_dim3A_1149 = vector.broadcast %jit3A_1148 : i32 to vector<32x2048xi32>
    %select_n3A_1150 = arith.select %eq3A_1147, %iota3A, %broadcast_in_dim3A_1149 : vector<32x2048xi1>, vector<32x2048xi32>
    %reduce_min3A_1151 = arith.constant dense<2147483647> : vector<32xi32>
    %reduce_min3A_1152 = vector.multi_reduction <minsi>, %select_n3A_1150, %reduce_min3A_1151 [1] : vector<32x2048xi32> to vector<32xi32>
    %broadcast_in_dim3A_1153 = vector.shape_cast %reduce_min3A_1152 : vector<32xi32> to vector<32x1xi32>
    %eq3A_1154 = vector.broadcast %broadcast_in_dim3A_1153 : vector<32x1xi32> to vector<32x2048xi32>
    %eq3A_1155 = arith.cmpi eq, %iota3A, %eq3A_1154 : vector<32x2048xi32>
    %convert_element_type3A_1156 = arith.extui %eq3A_1155 : vector<32x2048xi1> to vector<32x2048xi32>
    %or3A_1157 = arith.ori %or3A_1139, %convert_element_type3A_1156 : vector<32x2048xi32>
    %jit3A_1158 = arith.constant -1.000000e+00 : f32
    %broadcast_in_dim3A_1159 = vector.broadcast %jit3A_1158 : f32 to vector<32x2048xf32>
    %select_n3A_1160 = arith.select %eq3A_1155, %broadcast_in_dim3A_1159, %select_n3A_1142 : vector<32x2048xi1>, vector<32x2048xf32>
    %reduce_max3A_1161 = arith.constant dense<0xFF800000> : vector<32xf32>
    %reduce_max3A_1162 = vector.multi_reduction <maximumf>, %select_n3A_1160, %reduce_max3A_1161 [1] : vector<32x2048xf32> to vector<32xf32>
    %broadcast_in_dim3A_1163 = vector.shape_cast %reduce_max3A_1162 : vector<32xf32> to vector<32x1xf32>
    %eq3A_1164 = vector.broadcast %broadcast_in_dim3A_1163 : vector<32x1xf32> to vector<32x2048xf32>
    %eq3A_1165 = arith.cmpf oeq, %select_n3A_1160, %eq3A_1164 : vector<32x2048xf32>
    %jit3A_1166 = arith.constant 2048 : i32
    %broadcast_in_dim3A_1167 = vector.broadcast %jit3A_1166 : i32 to vector<32x2048xi32>
    %select_n3A_1168 = arith.select %eq3A_1165, %iota3A, %broadcast_in_dim3A_1167 : vector<32x2048xi1>, vector<32x2048xi32>
    %reduce_min3A_1169 = arith.constant dense<2147483647> : vector<32xi32>
    %reduce_min3A_1170 = vector.multi_reduction <minsi>, %select_n3A_1168, %reduce_min3A_1169 [1] : vector<32x2048xi32> to vector<32xi32>
    %broadcast_in_dim3A_1171 = vector.shape_cast %reduce_min3A_1170 : vector<32xi32> to vector<32x1xi32>
    %eq3A_1172 = vector.broadcast %broadcast_in_dim3A_1171 : vector<32x1xi32> to vector<32x2048xi32>
    %eq3A_1173 = arith.cmpi eq, %iota3A, %eq3A_1172 : vector<32x2048xi32>
    %convert_element_type3A_1174 = arith.extui %eq3A_1173 : vector<32x2048xi1> to vector<32x2048xi32>
    %or3A_1175 = arith.ori %or3A_1157, %convert_element_type3A_1174 : vector<32x2048xi32>
    %concatenate3A = tpu.concatenate %broadcast_in_dim3A_39, %broadcast_in_dim3A_55, %broadcast_in_dim3A_73, %broadcast_in_dim3A_91, %broadcast_in_dim3A_109, %broadcast_in_dim3A_127, %broadcast_in_dim3A_145, %broadcast_in_dim3A_163, %broadcast_in_dim3A_181, %broadcast_in_dim3A_199, %broadcast_in_dim3A_217, %broadcast_in_dim3A_235, %broadcast_in_dim3A_253, %broadcast_in_dim3A_271, %broadcast_in_dim3A_289, %broadcast_in_dim3A_307, %broadcast_in_dim3A_325, %broadcast_in_dim3A_343, %broadcast_in_dim3A_361, %broadcast_in_dim3A_379, %broadcast_in_dim3A_397, %broadcast_in_dim3A_415, %broadcast_in_dim3A_433, %broadcast_in_dim3A_451, %broadcast_in_dim3A_469, %broadcast_in_dim3A_487, %broadcast_in_dim3A_505, %broadcast_in_dim3A_523, %broadcast_in_dim3A_541, %broadcast_in_dim3A_559, %broadcast_in_dim3A_577, %broadcast_in_dim3A_595, %broadcast_in_dim3A_613, %broadcast_in_dim3A_631, %broadcast_in_dim3A_649, %broadcast_in_dim3A_667, %broadcast_in_dim3A_685, %broadcast_in_dim3A_703, %broadcast_in_dim3A_721, %broadcast_in_dim3A_739, %broadcast_in_dim3A_757, %broadcast_in_dim3A_775, %broadcast_in_dim3A_793, %broadcast_in_dim3A_811, %broadcast_in_dim3A_829, %broadcast_in_dim3A_847, %broadcast_in_dim3A_865, %broadcast_in_dim3A_883, %broadcast_in_dim3A_901, %broadcast_in_dim3A_919, %broadcast_in_dim3A_937, %broadcast_in_dim3A_955, %broadcast_in_dim3A_973, %broadcast_in_dim3A_991, %broadcast_in_dim3A_1009, %broadcast_in_dim3A_1027, %broadcast_in_dim3A_1045, %broadcast_in_dim3A_1063, %broadcast_in_dim3A_1081, %broadcast_in_dim3A_1099, %broadcast_in_dim3A_1117, %broadcast_in_dim3A_1135, %broadcast_in_dim3A_1153, %broadcast_in_dim3A_1171 in 1 : vector<32x1xi32>, vector<32x1xi32>, vector<32x1xi32>, vector<32x1xi32>, vector<32x1xi32>, vector<32x1xi32>, vector<32x1xi32>, vector<32x1xi32>, vector<32x1xi32>, vector<32x1xi32>, vector<32x1xi32>, vector<32x1xi32>, vector<32x1xi32>, vector<32x1xi32>, vector<32x1xi32>, vector<32x1xi32>, vector<32x1xi32>, vector<32x1xi32>, vector<32x1xi32>, vector<32x1xi32>, vector<32x1xi32>, vector<32x1xi32>, vector<32x1xi32>, vector<32x1xi32>, vector<32x1xi32>, vector<32x1xi32>, vector<32x1xi32>, vector<32x1xi32>, vector<32x1xi32>, vector<32x1xi32>, vector<32x1xi32>, vector<32x1xi32>, vector<32x1xi32>, vector<32x1xi32>, vector<32x1xi32>, vector<32x1xi32>, vector<32x1xi32>, vector<32x1xi32>, vector<32x1xi32>, vector<32x1xi32>, vector<32x1xi32>, vector<32x1xi32>, vector<32x1xi32>, vector<32x1xi32>, vector<32x1xi32>, vector<32x1xi32>, vector<32x1xi32>, vector<32x1xi32>, vector<32x1xi32>, vector<32x1xi32>, vector<32x1xi32>, vector<32x1xi32>, vector<32x1xi32>, vector<32x1xi32>, vector<32x1xi32>, vector<32x1xi32>, vector<32x1xi32>, vector<32x1xi32>, vector<32x1xi32>, vector<32x1xi32>, vector<32x1xi32>, vector<32x1xi32>, vector<32x1xi32>, vector<32x1xi32> -> vector<32x64xi32>
    %swap3A = arith.constant 0 : index
    %swap3A_1176 = arith.constant 0 : index
    %swap3A_1177 = vector.load %arg4[%swap3A, %swap3A_1176] : memref<32x64xi32, #tpu.memory_space<vmem>>, vector<32x64xi32>
    tpu.vector_store %arg4[%swap3A, %swap3A_1176], %concatenate3A {strides = array<i32>} : memref<32x64xi32, #tpu.memory_space<vmem>>, vector<32x64xi32>,
    %swap3A_1178 = arith.constant 0 : index
    %swap3A_1179 = arith.constant 0 : index
    %swap3A_1180 = vector.load %arg5[%swap3A_1178, %swap3A_1179] : memref<32x2048xi32, #tpu.memory_space<vmem>>, vector<32x2048xi32>
    tpu.vector_store %arg5[%swap3A_1178, %swap3A_1179], %or3A_1175 {strides = array<i32>} : memref<32x2048xi32, #tpu.memory_space<vmem>>, vector<32x2048xi32>,
    return
  }
}

</mosaic_0001>

<sc_bundles>
// kernel: kernel.5.cloned.1.call-start
scs
__scs_entry_jumppad:
0x0: {  	(pc) =	sbr.rel $0x88, $3  }
0x1: {  	(tag) =	ssettag $0x0;
	lr =	simm.s32 $0x1  }
0x2: {  	[smem:$0x3F9B] =	sst lr;
	_ =	strace $0xD0000000  }
0x3: {  	_ = 	snop  }
0x4: {  	_ = 	snop  }
0x5: {  	_ = 	snop  }
0x6: {  	_ = 	snop  }
0x7: {  	_ = 	snop  }
__scs_overlays_trampoline_lowered:
0x8: {  	[smem:$0x3FAA] =	sst s0  }
0x9: {  	[smem:$0x3FAB] =	sst s1  }
0xa: {  	[smem:$0x3FAC] =	sst s2  }
0xb: {  	[smem:$0x3FAD] =	sst s3  }
0xc: {  	[smem:$0x3FAE] =	sst s4  }
0xd: {  	[smem:$0x3FAF] =	sst s5  }
0xe: {  	[smem:$0x3FB0] =	sst s6  }
0xf: {  	[smem:$0x3FB1] =	sst s7  }
0x10: {  	[smem:$0x3FB2] =	sst s8  }
0x11: {  	[smem:$0x3FB3] =	sst s9;
	s0 =	simm.s32 @!p0 $0x0  }
0x12: {  	s1 =	sld [smem:$0x3F99];
	s0 =	simm.s32 @p0 $0x1  }
0x13: {  	[smem:$0x3FB4] =	sst s0;
	s0 =	simm.s32 @!p1 $0x0  }
0x14: {  	s2 =	sld [smem:$0x3F98];
	s0 =	simm.s32 @p1 $0x1  }
0x15: {  	[smem:$0x3FB5] =	sst s0;
	s0 =	simm.s32 @!p2 $0x0  }
0x16: {  	s3 =	sld [smem:$0x3FDB];
	s0 =	simm.s32 @p2 $0x1  }
0x17: {  	s4 =	simm.s32 $0x1BF5;
	[smem:$0x3FB7] =	sst s0  }
0x18: {  	s0 =	sld [smem:$0x3F9A];
	_ =	swait.ge [sflag:s4], $0x0  }
0x19: {  	s7 =	sld [smem:$0x3F9B]  }
0x1a: {  	s8 =	sadd.s32 $0xFFFFE003, lr  }
0x1b: {  	s9 =	sadd.s32 $0xFFFFFEF7, lr;
	s5 =	simm.s32 $0xFFFFFFFF;
	p2 =	slt.u32 s8, $0xFFFFF086  }
0x1c: {  	p1 =	slt.u32 s9, $0xF7A;
	s5 =	simm.s32 @!p2 $0x0  }
0x1d: {  	s5 =	simm.s32 @p1 $0x1;
	p0 =	seq.s32 s7, s2  }
0x1e: {  	s7 =	smul.u32 @!p0 $0xF7A, s2;
	p2 =	seq.s32 @!p0 s5, $0x0  }
0x1f: {  	s9 =	smul.u32 $0xF7A, s1;
	s8 =	simm.s32 @!p0 $0x1BF5;
	p2 =	por !p2, p0  }
0x20: {  	[sflag:s8] =	ssyncset.s32 @!p0 $0xFFFFF086;
	s6 =	sadd.s32 @!p0 s3, s7;
	s7 =	simm.s32 @!p0 $0x108  }
0x21: {  	s3 =	sadd.s32 s3, s9;
	s6 =	sadd.s32 @!p0 $0x88, s6;
	s7 =	simm.s32 @p2 $0x1082  }
0x22: {  	[simem:s7], [sflag:s8] =	dma.local @!p0 [hbm:s6], $0xF7A  }
0x23: {  	s9 =	sor.u32 $0xD0000000, s2;
	s6 =	simm.s32 $0x108;
	_ =	swait.ge @!p0 [sflag:s8], $0x0  }
0x24: {  	s3 =	sadd.s32 $0x88, s3;
	s6 =	simm.s32 @!p1 $0x1082;
	[sflag:s4] =	ssyncset.s32 $0xFFFFF086  }
0x25: {  	[simem:s6], [sflag:s4] =	dma.local [hbm:s3], $0xF7A  }
0x26: {  	[smem:$0x3F9B] =	sst s1;
	(tag) =	ssettag s2;
	_ =	strace s9  }
0x27: {  	s1 =	sld [smem:$0x3FAB]  }
0x28: {  	s2 =	sld [smem:$0x3FAC]  }
0x29: {  	s4 =	sld [smem:$0x3FAE]  }
0x2a: {  	p0 =	seq.s32 s5, $0x0;
	s5 =	sld [smem:$0x3FAF]  }
0x2b: {  	s6 =	sld [smem:$0x3FB0]  }
0x2c: {  	s7 =	sld [smem:$0x3FB1]  }
0x2d: {  	s3 =	simm.s32 $0x108;
	s8 =	sld [smem:$0x3FB2]  }
0x2e: {  	s3 =	simm.s32 @!p0 $0x1082;
	s9 =	sld [smem:$0x3FB3]  }
0x2f: {  	lr =	sadd.s32 s0, s3;
	s0 =	sld [smem:$0x3FAA]  }
0x30: {  	s3 =	sld [smem:$0x3FAD]  }
0x31: {  	[smem:$0x3FB6] =	sst s10  }
0x32: {  	s10 =	sld [smem:$0x3FB4];
	_ =	sdelay $0x3  }
0x33: {  	p0 =	seq.s32 s10, $0x1;
	s10 =	sld [smem:$0x3FB6];
	_ =	sdelay $0x3  }
0x34: {  	[smem:$0x3FB6] =	sst s10  }
0x35: {  	s10 =	sld [smem:$0x3FB5];
	_ =	sdelay $0x3  }
0x36: {  	p1 =	seq.s32 s10, $0x1;
	s10 =	sld [smem:$0x3FB6];
	_ =	sdelay $0x3  }
0x37: {  	[smem:$0x3FB6] =	sst s10  }
0x38: {  	s10 =	sld [smem:$0x3FB7]  }
0x39: {  	_ = 	snop;
	(pc) =	sbr.ind lr, $3  }
0x3a: {  	_ = 	snop  }
0x3b: {  	_ = 	snop  }
0x3c: {  	p2 =	seq.s32 s10, $0x1;
	s10 =	sld [smem:$0x3FB6]  }
0x3d: {  	_ =	shalt  }
0x3e: {  	_ =	shalt  }
0x3f: {  	_ =	shalt  }
0x40: {  	_ =	shalt  }
0x41: {  	_ =	shalt  }
0x42: {  	_ =	shalt  }
0x43: {  	_ =	shalt  }
0x44: {  	_ =	shalt  }
0x45: {  	_ =	shalt  }
0x46: {  	_ =	shalt  }
0x47: {  	_ =	shalt  }
0x48: {  	_ =	shalt  }
0x49: {  	_ =	shalt  }
0x4a: {  	_ =	shalt  }
0x4b: {  	_ =	shalt  }
0x4c: {  	_ =	shalt  }
0x4d: {  	_ =	shalt  }
0x4e: {  	_ =	shalt  }
0x4f: {  	_ =	shalt  }
0x50: {  	_ =	shalt  }
0x51: {  	_ =	shalt  }
0x52: {  	_ =	shalt  }
0x53: {  	_ =	shalt  }
0x54: {  	_ =	shalt  }
0x55: {  	_ =	shalt  }
0x56: {  	_ =	shalt  }
0x57: {  	_ =	shalt  }
0x58: {  	_ =	shalt  }
0x59: {  	_ =	shalt  }
0x5a: {  	_ =	shalt  }
0x5b: {  	_ =	shalt  }
0x5c: {  	_ =	shalt  }
0x5d: {  	_ =	shalt  }
0x5e: {  	_ =	shalt  }
0x5f: {  	_ =	shalt  }
0x60: {  	_ =	shalt  }
0x61: {  	_ =	shalt  }
0x62: {  	_ =	shalt  }
0x63: {  	_ =	shalt  }
0x64: {  	_ =	shalt  }
0x65: {  	_ =	shalt  }
0x66: {  	_ =	shalt  }
0x67: {  	_ =	shalt  }
0x68: {  	_ =	shalt  }
0x69: {  	_ =	shalt  }
0x6a: {  	_ =	shalt  }
0x6b: {  	_ =	shalt  }
0x6c: {  	_ =	shalt  }
0x6d: {  	_ =	shalt  }
0x6e: {  	_ =	shalt  }
0x6f: {  	_ =	shalt  }
0x70: {  	_ =	shalt  }
0x71: {  	_ =	shalt  }
0x72: {  	_ =	shalt  }
0x73: {  	_ =	shalt  }
0x74: {  	_ =	shalt  }
0x75: {  	_ =	shalt  }
0x76: {  	_ =	shalt  }
0x77: {  	_ =	shalt  }
0x78: {  	_ =	shalt  }
0x79: {  	_ =	shalt  }
0x7a: {  	_ =	shalt  }
0x7b: {  	_ =	shalt  }
0x7c: {  	_ =	shalt  }
0x7d: {  	_ =	shalt  }
0x7e: {  	_ =	shalt  }
0x7f: {  	_ =	shalt  }
0x80: {  	_ =	shalt  }
0x81: {  	_ =	shalt  }
0x82: {  	_ =	shalt  }
0x83: {  	_ =	shalt  }
0x84: {  	_ =	shalt  }
0x85: {  	_ =	shalt  }
0x86: {  	_ =	shalt  }
0x87: {  	_ =	shalt  }
.Lfunc_end0:
.L_simem_size_0:
called_computation_lowered:
.L_overlay_start_0:
0x88: {  	s2 =	sld [smem:$0x3FD9]  }
0x89: {  	s3 =	sld [smem:$0x3FFE];
	_ =	sdelay $0x1  }
0x8a: {  	s1 =	srdreg.scid  }
0x8b: {  	s0 =	sand.u32 $0x1, s1  }
0x8c: {  	s15 =	sshll.u32 s0, $0xA;
	s2 =	sadd.s32 s3, s2  }
0x8d: {  	s2 =	sadd.s32 s2, s15  }
0x8e: {  	[smem:$0x3FC2] =	sst s2  }
0x8f: {  	_ = 	snop  }
0x90: {  	s2 =	sld [smem:$0x3FD0];
	_ =	sdelay $0x2  }
0x91: {  	s4 =	simm.s32 $0xA;
	s5 =	simm.s32 $0x10;
	s16 =	sld [smem:$0x3FC9]  }
0x92: {  	[smem:s5], [sflag:s4] =	dma.local [hbm:s2], $0x1  }
0x93: {  	_ =	swait.eq [sflag:s4], $0x1  }
0x94: {  	[sflag:s4] =	ssyncset.done $0x0  }
0x95: {  	s17 =	sld [smem:$0x10];
	[sflag:s4] =	ssyncadd.s32 $0xFFFFFFFF  }
0x96: {  	s18 =	sld [smem:$0x12];
	(tm) =	ssettm $0x1  }
0x97: {  	s19 =	sld [smem:$0x3FFB];
	_ =	sdelay $0x3  }
0x98: {  	_ =	strace s19  }
0x99: {  	s5 =	sld [smem:$0x3FFC];
	_ =	sdelay $0x3  }
0x9a: {  	_ =	strace s5  }
0x9b: {  	s5 =	sld [smem:$0x3FFD];
	_ =	sdelay $0x3  }
0x9c: {  	_ =	strace s5  }
0x9d: {  	_ =	strace $0x8FFFFFFF  }
0x9e: {  	s20 =	sld [smem:$0x3FDB];
	_ =	sdelay $0x1  }
0x9f: {  	s6 =	simm.s32 $_scs_section_size  }
0xa0: {  	s7 =	simm.s32 $_size__tile_overlayer_lowered;
	s8 =	simm.s32 $_tile_overlayer_lowered  }
0xa1: {  	s23 =	simm.s32 $0x1BFF;
	s22 =	sshll.u32 s8, $0x1;
	s5 =	sadd.s32 s6, s20  }
0xa2: {  	s9 =	simm.s32 $0x0;
	s21 =	sshll.u32 s7, $0x1;
	s7 =	sadd.s32 s22, s5  }
0xa3: {  	[timem:s9], [sflag:s23] =	dma.local [hbm:s7], s21  }
0xa4: {  	_ =	swait.ge [sflag:s23], s21  }
0xa5: {  	s6 =	ssub.s32 $0x0, s21;
	[sflag:s23] =	ssyncset.done $0x0  }
0xa6: {  	[sflag:s23] =	ssyncadd.s32 s6;
	_ =	sdelay $0x1  }
0xa7: {  	s24 =	simm.s32 $0x1B8B  }
0xa8: {  	_ =	swait.ge [sflag:s24], $0x1  }
0xa9: {  	[sflag:s24] =	ssyncset.done $0x0  }
0xaa: {  	s25 =	simm.s32 $0x1B8E;
	[sflag:s24] =	ssyncadd.s32 $0xFFFFFFFF  }
0xab: {  	s26 =	simm.s32 $execute0_lowered;
	[smem:$0x3FD2] =	sst s25  }
0xac: {  	s6 =	sshll.u32 s26, $0x1;
	_ =	strace $0x80000046;
	[dreg:$0x1] =	wrdreg $0xFFFFFFFF  }
0xad: {  	s28 =	simm.s32 $_size_execute0_lowered;
	s5 =	sadd.s32 s5, s6;
	[dreg:$0x0] =	wrdreg $0x0  }
0xae: {  	s6 =	sshll.u32 s28, $0x1;
	[dreg:$0x2] =	wrdreg s5  }
0xaf: {  	[dreg:$0x3] =	wrdreg s6  }
0xb0: {  	[dreg:$0x4] =	wrdreg $0xC0  }
0xb1: {  	_ =	task [dreg:s9], $0x5FFFF  }
0xb2: {  	[dreg:$0x1] =	wrdreg $0xFFFFFFFF  }
0xb3: {  	[dreg:$0x0] =	wrdreg $0x60  }
0xb4: {  	[dreg:$0x2] =	wrdreg s16  }
0xb5: {  	[dreg:$0x3] =	wrdreg s18  }
0xb6: {  	[dreg:$0x4] =	wrdreg s17  }
0xb7: {  	[dreg:$0x5] =	wrdreg $0x9  }
0xb8: {  	_ =	task.clear_ibuf [dreg:s9], $0x6FFFF;
	_ =	strace $0x90000046  }
0xb9: {  	s29 =	simm.s32 $0x9;
	_ =	strace $0x80000048  }
0xba: {  	_ =	swait.ge [sflag:s29], $0x1  }
0xbb: {  	[sflag:s29] =	ssyncadd.s32 $0xFFFFFFFF  }
0xbc: {  	_ =	strace $0x90000048  }
0xbd: {  	_ =	sfence  }
0xbe: {  	s30 =	sld [smem:$0x0];
	_ =	sdelay $0x2  }
0xbf: {  	s31 =	sshll.u32 s1, $0xD;
	s1 =	sshrl.u32 s1, $0x2  }
0xc0: {  	s3 =	sand.u32 $0x4000, s31;
	s1 =	sadd.s32 s1, s30  }
0xc1: {  	s0 =	sor.u32 s3, s0;
	s1 =	sshll.u32 s1, $0x11  }
0xc2: {  	s0 =	sor.u32 s1, s0  }
0xc3: {  	s0 =	sadd.s32 $0x8F2B, s0  }
0xc4: {  	[sflag:s0] =	ssyncadd.remote.s32 $0x1  }
0xc5: {  	_ =	sfence.sel $0xFFFF  }
0xc6: {  	[dreg:$0x0] =	wrdreg $0xFFFFFFFF;
	(pc) =	sbr.abs _section_cstart, $3  }
0xc7: {  	[dreg:$0x1] =	wrdreg $0xFFFFFFFF  }
0xc8: {  	_ =	task.clear_ibuf [dreg:s9], $0x2FFFF;
	_ =	strace $0x9FFFFFFF  }
0xc9: {  	(tm) =	ssettm $0x7FFFFFFF  }
tec
execute0_lowered:
.L_overlay_start_1:
0x0: {  	(tag) =	ssettag $0x1  }
0x1: {  	s2 =	rddreg [dreg:$0x0]  }
0x2: {  	s0 =	rddreg [dreg:$0x1]  }
0x3: {  	s3 =	rddreg [dreg:$0x2];
	s1 =	srdreg.scid  }
0x4: {  	s4 =	stileid.u32;
	s13 =	simm.s32 $0x1;
	s15 =	simm.s32 $0x880  }
0x5: {  	s16 =	simm.s32 $0x1080;
	s17 =	simm.s32 $0x1880;
	s18 =	simm.s32 $0x2080  }
0x6: {  	s19 =	simm.s32 $0x2880;
	s20 =	simm.s32 $0x3080;
	s21 =	simm.s32 $0x3880  }
0x7: {  	s22 =	simm.s32 $0x4080;
	s23 =	simm.s32 $0x4880;
	s24 =	simm.s32 $0x5080  }
0x8: {  	s28 =	simm.s32 $0x6880;
	s29 =	simm.s32 $0x7080;
	s30 =	simm.s32 $0x7880  }
0x9: {  	s31 =	simm.s32 $0x8080;
	s11 =	simm.s32 $0x9880;
	s12 =	simm.s32 $0xA080  }
0xa: {  	s10 =	simm.s32 $0xA880;
	s1 =	sand.u32 $0x1, s1;
	s5 =	sshll.u32 s4, $0x1  }
0xb: {  	s4 =	simm.s32 $0x0;
	s8 =	sadd.s32 $0x200, s3;
	s6 =	ssub.s32 $0x2, s1  }
0xc: {  	s1 =	sor.u32 s1, s5;
	[smem:$0x7FF] =	sst s4;
	s5 =	sadd.s32 $0x100, s2  }
0xd: {  	s25 =	sshrl.u32 s6, $0x1;
	s7 =	sshll.u32 s1, $0x4;
	_ =	strace $0x80000047  }
0xe: {  	v3 =	vlaneseq.u32;
	s26 =	sshll.u32 s1, $0xB;
	s9 =	ssub.s32 s6, s25;
	s0 =	sadd.s32 s0, s7  }
0xf: {  	vm0 =	vmmov $0xffff;
	v1 =	vand.u32 $0x7, v3;
	v2 =	vshrl.u32 v3, $0x3;
	s6 =	sadd.s32 $0x200, s2;
	s7 =	sadd.s32 $0x100, s3;
	s25 =	simm.s32 $0x5880  }
0x10: {  	v3 =	vor.u32 $0x8, v3;
	v2 =	vmul.u32 $0x8, v2;
	v0 =	vmov s26;
	s26 =	simm.s32 $0x6080;
	[dreg:$0x4] =	wrdreg s0;
	s9 =	smax.u32 s9, $0x1  }
.LBB2_1:
0x11: {  	s14 =	rddreg [dreg:$0x4];
	s0 =	simm.s32 $0x2  }
0x12: {  	[tilespmem:s4], [sflag:$0x2] =	stream.linear.gather [hbm4b:s14+s4], $0x80, $0x38;
	[tilespmem:$0xC080] =	vst v63  }
0x13: {  	_ =	swait.ge [sflag:s0], $0x80  }
0x14: {  	[sflag:s0] =	ssyncset.done $0x0  }
0x15: {  	[sflag:s0] =	ssyncadd.s32 $0xFFFFFF80  }
0x16: {  	v4 =	vld [tilespmem:$0x0];
	_ =	sdelay $0x4  }
0x17: {  	v5 =	vadd.s32 v0, v4  }
0x18: {  	v6 =	vshrl.u32 v5, $0x3  }
0x19: {  	v6 =	vmul.u32 $0x30, v6  }
0x1a: {  	v7 =	vld [tilespmem:$0x10];
	v4 =	vand.u32 $0x7, v4  }
0x1b: {  	v8 =	vld [tilespmem:$0x20];
	v4 =	vor.u32 v4, v6  }
0x1c: {  	v63 =	vld [tilespmem:$0x30];
	v9 =	vperm.xlane v4, v1;
	_ =	sdelay $0x1  }
0x1d: {  	v9 =	vadd.s32 v2, v9  }
0x1e: {  	[tilespmem:$0x0] =	vst v5;
	v5 =	vadd.s32 v0, v7  }
0x1f: {  	[tilespmem:$0x10] =	vst v5;
	v5 =	vadd.s32 v0, v8  }
0x20: {  	[tilespmem:$0x20] =	vst v5;
	v5 =	vadd.s32 v0, v63  }
0x21: {  	s14 =	simm.s32 $0x80;
	[tilespmem:$0x30] =	vst v5;
	v4 =	vperm.xlane v4, v3  }
0x22: {  	[tilespmem:s14], [sflag:$0x1] =	stream.indirect_vreg.gather [hbm4b:s2+s4], $0x80, v9, vm0, $0xb8;
	[tilespmem:$0xC080] =	vst v63  }
0x23: {  	v4 =	vadd.s32 v2, v4  }
0x24: {  	[tilespmem:s15], [sflag:$0x1] =	stream.indirect_vreg.gather [hbm4b:s5+s4], $0x80, v9, vm0, $0xb8;
	[tilespmem:$0xC080] =	vst v63  }
0x25: {  	_ = 	snop  }
0x26: {  	[tilespmem:s16], [sflag:$0x1] =	stream.indirect_vreg.gather [hbm4b:s6+s4], $0x80, v9, vm0, $0xb8;
	[tilespmem:$0xC080] =	vst v63  }
0x27: {  	_ = 	snop  }
0x28: {  	[tilespmem:s17], [sflag:$0x1] =	stream.indirect_vreg.gather [hbm4b:s2+s4], $0x80, v4, vm0, $0xb8;
	[tilespmem:$0xC080] =	vst v63  }
0x29: {  	_ = 	snop  }
0x2a: {  	[tilespmem:s18], [sflag:$0x1] =	stream.indirect_vreg.gather [hbm4b:s5+s4], $0x80, v4, vm0, $0xb8;
	[tilespmem:$0xC080] =	vst v63  }
0x2b: {  	_ = 	snop  }
0x2c: {  	[tilespmem:s19], [sflag:$0x1] =	stream.indirect_vreg.gather [hbm4b:s6+s4], $0x80, v4, vm0, $0xb8;
	[tilespmem:$0xC080] =	vst v63  }
0x2d: {  	v4 =	vld [tilespmem:$0x10];
	_ =	sdelay $0x4  }
0x2e: {  	v5 =	vshrl.u32 v4, $0x3  }
0x2f: {  	v5 =	vmul.u32 $0x30, v5  }
0x30: {  	v4 =	vand.u32 $0x7, v4  }
0x31: {  	v4 =	vor.u32 v4, v5  }
0x32: {  	v5 =	vperm.xlane v4, v1;
	_ =	sdelay $0x1  }
0x33: {  	v5 =	vadd.s32 v2, v5;
	_ =	sdelay $0x3  }
0x34: {  	v4 =	vperm.xlane v4, v3  }
0x35: {  	[tilespmem:s20], [sflag:$0x1] =	stream.indirect_vreg.gather [hbm4b:s2+s4], $0x80, v5, vm0, $0xb8;
	[tilespmem:$0xC080] =	vst v63  }
0x36: {  	v4 =	vadd.s32 v2, v4  }
0x37: {  	[tilespmem:s21], [sflag:$0x1] =	stream.indirect_vreg.gather [hbm4b:s5+s4], $0x80, v5, vm0, $0xb8;
	[tilespmem:$0xC080] =	vst v63  }
0x38: {  	_ = 	snop  }
0x39: {  	[tilespmem:s22], [sflag:$0x1] =	stream.indirect_vreg.gather [hbm4b:s6+s4], $0x80, v5, vm0, $0xb8;
	[tilespmem:$0xC080] =	vst v63  }
0x3a: {  	_ = 	snop  }
0x3b: {  	[tilespmem:s23], [sflag:$0x1] =	stream.indirect_vreg.gather [hbm4b:s2+s4], $0x80, v4, vm0, $0xb8;
	[tilespmem:$0xC080] =	vst v63  }
0x3c: {  	_ = 	snop  }
0x3d: {  	[tilespmem:s24], [sflag:$0x1] =	stream.indirect_vreg.gather [hbm4b:s5+s4], $0x80, v4, vm0, $0xb8;
	[tilespmem:$0xC080] =	vst v63  }
0x3e: {  	_ = 	snop  }
0x3f: {  	[tilespmem:s25], [sflag:$0x1] =	stream.indirect_vreg.gather [hbm4b:s6+s4], $0x80, v4, vm0, $0xb8;
	[tilespmem:$0xC080] =	vst v63  }
0x40: {  	v4 =	vld [tilespmem:$0x20];
	_ =	sdelay $0x4  }
0x41: {  	v5 =	vshrl.u32 v4, $0x3  }
0x42: {  	v5 =	vmul.u32 $0x30, v5  }
0x43: {  	v4 =	vand.u32 $0x7, v4  }
0x44: {  	v4 =	vor.u32 v4, v5  }
0x45: {  	v5 =	vperm.xlane v4, v1;
	_ =	sdelay $0x1  }
0x46: {  	v5 =	vadd.s32 v2, v5;
	_ =	sdelay $0x3  }
0x47: {  	v4 =	vperm.xlane v4, v3  }
0x48: {  	[tilespmem:s26], [sflag:$0x1] =	stream.indirect_vreg.gather [hbm4b:s2+s4], $0x80, v5, vm0, $0xb8;
	[tilespmem:$0xC080] =	vst v63  }
0x49: {  	v4 =	vadd.s32 v2, v4  }
0x4a: {  	[tilespmem:s28], [sflag:$0x1] =	stream.indirect_vreg.gather [hbm4b:s5+s4], $0x80, v5, vm0, $0xb8;
	[tilespmem:$0xC080] =	vst v63  }
0x4b: {  	_ = 	snop  }
0x4c: {  	[tilespmem:s29], [sflag:$0x1] =	stream.indirect_vreg.gather [hbm4b:s6+s4], $0x80, v5, vm0, $0xb8;
	[tilespmem:$0xC080] =	vst v63  }
0x4d: {  	_ = 	snop  }
0x4e: {  	[tilespmem:s30], [sflag:$0x1] =	stream.indirect_vreg.gather [hbm4b:s2+s4], $0x80, v4, vm0, $0xb8;
	[tilespmem:$0xC080] =	vst v63  }
0x4f: {  	_ = 	snop  }
0x50: {  	[tilespmem:s31], [sflag:$0x1] =	stream.indirect_vreg.gather [hbm4b:s5+s4], $0x80, v4, vm0, $0xb8;
	[tilespmem:$0xC080] =	vst v63  }
0x51: {  	s1 =	simm.s32 $0x8880  }
0x52: {  	[tilespmem:s1], [sflag:$0x1] =	stream.indirect_vreg.gather [hbm4b:s6+s4], $0x80, v4, vm0, $0xb8;
	[tilespmem:$0xC080] =	vst v63  }
0x53: {  	v4 =	vld [tilespmem:$0x30];
	_ =	sdelay $0x4  }
0x54: {  	v5 =	vshrl.u32 v4, $0x3  }
0x55: {  	v5 =	vmul.u32 $0x30, v5  }
0x56: {  	v4 =	vand.u32 $0x7, v4  }
0x57: {  	v4 =	vor.u32 v4, v5  }
0x58: {  	v5 =	vperm.xlane v4, v1;
	_ =	sdelay $0x1  }
0x59: {  	v5 =	vadd.s32 v2, v5;
	_ =	sdelay $0x3  }
0x5a: {  	s1 =	simm.s32 $0x9080;
	v4 =	vperm.xlane v4, v3  }
0x5b: {  	[tilespmem:s1], [sflag:$0x1] =	stream.indirect_vreg.gather [hbm4b:s2+s4], $0x80, v5, vm0, $0xb8;
	[tilespmem:$0xC080] =	vst v63  }
0x5c: {  	v4 =	vadd.s32 v2, v4  }
0x5d: {  	[tilespmem:s11], [sflag:$0x1] =	stream.indirect_vreg.gather [hbm4b:s5+s4], $0x80, v5, vm0, $0xb8;
	[tilespmem:$0xC080] =	vst v63  }
0x5e: {  	_ = 	snop  }
0x5f: {  	[tilespmem:s12], [sflag:$0x1] =	stream.indirect_vreg.gather [hbm4b:s6+s4], $0x80, v5, vm0, $0xb8;
	[tilespmem:$0xC080] =	vst v63  }
0x60: {  	_ = 	snop  }
0x61: {  	[tilespmem:s10], [sflag:$0x1] =	stream.indirect_vreg.gather [hbm4b:s2+s4], $0x80, v4, vm0, $0xb8;
	[tilespmem:$0xC080] =	vst v63  }
0x62: {  	s0 =	simm.s32 $0xB080  }
0x63: {  	[tilespmem:s0], [sflag:$0x1] =	stream.indirect_vreg.gather [hbm4b:s5+s4], $0x80, v4, vm0, $0xb8;
	[tilespmem:$0xC080] =	vst v63  }
0x64: {  	s0 =	simm.s32 $0xB880  }
0x65: {  	[tilespmem:s0], [sflag:$0x1] =	stream.indirect_vreg.gather [hbm4b:s6+s4], $0x80, v4, vm0, $0xb8;
	[tilespmem:$0xC080] =	vst v63  }
0x66: {  	_ =	swait.ge [sflag:s13], $0xC000  }
0x67: {  	[sflag:s13] =	ssyncset.done $0x0  }
0x68: {  	[sflag:s13] =	ssyncadd.s32 $0xFFFF4000  }
0x69: {  	v4 =	vld [tilespmem:$0x0];
	_ =	sdelay $0x4  }
0x6a: {  	v5 =	vshrl.u32 v4, $0x3  }
0x6b: {  	v5 =	vmul.u32 $0x30, v5  }
0x6c: {  	v4 =	vand.u32 $0x7, v4  }
0x6d: {  	v4 =	vor.u32 v4, v5  }
0x6e: {  	v5 =	vperm.xlane v4, v1;
	_ =	sdelay $0x1  }
0x6f: {  	v5 =	vadd.s32 v2, v5;
	_ =	sdelay $0x3  }
0x70: {  	v4 =	vperm.xlane v4, v3  }
0x71: {  	[hbm4b:s3+s4] =	stream.indirect_vreg.scatter [tilespmem:s14], [sflag:$0x1], $0x80, v5, vm0, $0xb8;
	[tilespmem:$0xC080] =	vst v63  }
0x72: {  	v4 =	vadd.s32 v2, v4  }
0x73: {  	[hbm4b:s7+s4] =	stream.indirect_vreg.scatter [tilespmem:s15], [sflag:$0x1], $0x80, v5, vm0, $0xb8;
	[tilespmem:$0xC080] =	vst v63  }
0x74: {  	_ = 	snop  }
0x75: {  	[hbm4b:s8+s4] =	stream.indirect_vreg.scatter [tilespmem:s16], [sflag:$0x1], $0x80, v5, vm0, $0xb8;
	[tilespmem:$0xC080] =	vst v63  }
0x76: {  	_ = 	snop  }
0x77: {  	[hbm4b:s3+s4] =	stream.indirect_vreg.scatter [tilespmem:s17], [sflag:$0x1], $0x80, v4, vm0, $0xb8;
	[tilespmem:$0xC080] =	vst v63  }
0x78: {  	_ = 	snop  }
0x79: {  	[hbm4b:s7+s4] =	stream.indirect_vreg.scatter [tilespmem:s18], [sflag:$0x1], $0x80, v4, vm0, $0xb8;
	[tilespmem:$0xC080] =	vst v63  }
0x7a: {  	_ = 	snop  }
0x7b: {  	[hbm4b:s8+s4] =	stream.indirect_vreg.scatter [tilespmem:s19], [sflag:$0x1], $0x80, v4, vm0, $0xb8;
	[tilespmem:$0xC080] =	vst v63  }
0x7c: {  	v4 =	vld [tilespmem:$0x10];
	_ =	sdelay $0x4  }
0x7d: {  	v5 =	vshrl.u32 v4, $0x3  }
0x7e: {  	v5 =	vmul.u32 $0x30, v5  }
0x7f: {  	v4 =	vand.u32 $0x7, v4  }
0x80: {  	v4 =	vor.u32 v4, v5  }
0x81: {  	v5 =	vperm.xlane v4, v1;
	_ =	sdelay $0x1  }
0x82: {  	v5 =	vadd.s32 v2, v5;
	_ =	sdelay $0x3  }
0x83: {  	v4 =	vperm.xlane v4, v3  }
0x84: {  	[hbm4b:s3+s4] =	stream.indirect_vreg.scatter [tilespmem:s20], [sflag:$0x1], $0x80, v5, vm0, $0xb8;
	[tilespmem:$0xC080] =	vst v63  }
0x85: {  	v4 =	vadd.s32 v2, v4  }
0x86: {  	[hbm4b:s7+s4] =	stream.indirect_vreg.scatter [tilespmem:s21], [sflag:$0x1], $0x80, v5, vm0, $0xb8;
	[tilespmem:$0xC080] =	vst v63  }
0x87: {  	_ = 	snop  }
0x88: {  	[hbm4b:s8+s4] =	stream.indirect_vreg.scatter [tilespmem:s22], [sflag:$0x1], $0x80, v5, vm0, $0xb8;
	[tilespmem:$0xC080] =	vst v63  }
0x89: {  	_ = 	snop  }
0x8a: {  	[hbm4b:s3+s4] =	stream.indirect_vreg.scatter [tilespmem:s23], [sflag:$0x1], $0x80, v4, vm0, $0xb8;
	[tilespmem:$0xC080] =	vst v63  }
0x8b: {  	_ = 	snop  }
0x8c: {  	[hbm4b:s7+s4] =	stream.indirect_vreg.scatter [tilespmem:s24], [sflag:$0x1], $0x80, v4, vm0, $0xb8;
	[tilespmem:$0xC080] =	vst v63  }
0x8d: {  	_ = 	snop  }
0x8e: {  	[hbm4b:s8+s4] =	stream.indirect_vreg.scatter [tilespmem:s25], [sflag:$0x1], $0x80, v4, vm0, $0xb8;
	[tilespmem:$0xC080] =	vst v63  }
0x8f: {  	v4 =	vld [tilespmem:$0x20];
	_ =	sdelay $0x4  }
0x90: {  	v5 =	vshrl.u32 v4, $0x3  }
0x91: {  	v5 =	vmul.u32 $0x30, v5  }
0x92: {  	v4 =	vand.u32 $0x7, v4  }
0x93: {  	v4 =	vor.u32 v4, v5  }
0x94: {  	v5 =	vperm.xlane v4, v1;
	_ =	sdelay $0x1  }
0x95: {  	v5 =	vadd.s32 v2, v5;
	_ =	sdelay $0x3  }
0x96: {  	v4 =	vperm.xlane v4, v3  }
0x97: {  	[hbm4b:s3+s4] =	stream.indirect_vreg.scatter [tilespmem:s26], [sflag:$0x1], $0x80, v5, vm0, $0xb8;
	[tilespmem:$0xC080] =	vst v63  }
0x98: {  	v4 =	vadd.s32 v2, v4  }
0x99: {  	[hbm4b:s7+s4] =	stream.indirect_vreg.scatter [tilespmem:s28], [sflag:$0x1], $0x80, v5, vm0, $0xb8;
	[tilespmem:$0xC080] =	vst v63  }
0x9a: {  	_ = 	snop  }
0x9b: {  	[hbm4b:s8+s4] =	stream.indirect_vreg.scatter [tilespmem:s29], [sflag:$0x1], $0x80, v5, vm0, $0xb8;
	[tilespmem:$0xC080] =	vst v63  }
0x9c: {  	_ = 	snop  }
0x9d: {  	[hbm4b:s3+s4] =	stream.indirect_vreg.scatter [tilespmem:s30], [sflag:$0x1], $0x80, v4, vm0, $0xb8;
	[tilespmem:$0xC080] =	vst v63  }
0x9e: {  	_ = 	snop  }
0x9f: {  	[hbm4b:s7+s4] =	stream.indirect_vreg.scatter [tilespmem:s31], [sflag:$0x1], $0x80, v4, vm0, $0xb8;
	[tilespmem:$0xC080] =	vst v63  }
0xa0: {  	s14 =	simm.s32 $0x8880  }
0xa1: {  	[hbm4b:s8+s4] =	stream.indirect_vreg.scatter [tilespmem:s14], [sflag:$0x1], $0x80, v4, vm0, $0xb8;
	[tilespmem:$0xC080] =	vst v63  }
0xa2: {  	v4 =	vld [tilespmem:$0x30];
	_ =	sdelay $0x4  }
0xa3: {  	v5 =	vshrl.u32 v4, $0x3  }
0xa4: {  	v5 =	vmul.u32 $0x30, v5  }
0xa5: {  	v4 =	vand.u32 $0x7, v4  }
0xa6: {  	v4 =	vor.u32 v4, v5  }
0xa7: {  	v5 =	vperm.xlane v4, v1;
	_ =	sdelay $0x1  }
0xa8: {  	v5 =	vadd.s32 v2, v5;
	_ =	sdelay $0x3  }
0xa9: {  	v4 =	vperm.xlane v4, v3  }
0xaa: {  	[hbm4b:s3+s4] =	stream.indirect_vreg.scatter [tilespmem:s1], [sflag:$0x1], $0x80, v5, vm0, $0xb8;
	[tilespmem:$0xC080] =	vst v63  }
0xab: {  	v4 =	vadd.s32 v2, v4  }
0xac: {  	[hbm4b:s7+s4] =	stream.indirect_vreg.scatter [tilespmem:s11], [sflag:$0x1], $0x80, v5, vm0, $0xb8;
	[tilespmem:$0xC080] =	vst v63  }
0xad: {  	_ = 	snop  }
0xae: {  	[hbm4b:s8+s4] =	stream.indirect_vreg.scatter [tilespmem:s12], [sflag:$0x1], $0x80, v5, vm0, $0xb8;
	[tilespmem:$0xC080] =	vst v63  }
0xaf: {  	_ = 	snop  }
0xb0: {  	[hbm4b:s3+s4] =	stream.indirect_vreg.scatter [tilespmem:s10], [sflag:$0x1], $0x80, v4, vm0, $0xb8;
	[tilespmem:$0xC080] =	vst v63  }
0xb1: {  	p0 =	sne.s32 s9, $0x1;
	s14 =	simm.s32 $0xB080  }
0xb2: {  	[hbm4b:s7+s4] =	stream.indirect_vreg.scatter [tilespmem:s14], [sflag:$0x1], $0x80, v4, vm0, $0xb8;
	[tilespmem:$0xC080] =	vst v63  }
.Ltmp0:
0xb3: {  	s0 =	simm.s32 $0xB880;
	(pc) =	sbr.rel @p0 .LBB2_1-.Ltmp0, $4  }
0xb4: {  	[hbm4b:s8+s4] =	stream.indirect_vreg.scatter [tilespmem:s0], [sflag:$0x1], $0x80, v4, vm0, $0xb8;
	[tilespmem:$0xC080] =	vst v63  }
0xb5: {  	_ =	swait.ge [sflag:s13], $0xC000  }
0xb6: {  	[sflag:s13] =	ssyncset.done $0x0  }
0xb7: {  	s9 =	sadd.s32 $0xFFFFFFFF, s9;
	[sflag:s13] =	ssyncadd.s32 $0xFFFF4000  }
0xb8: {  	_ =	sfence.sel $0x180000  }
0xb9: {  	[bflag:$0x0] =	sbarrier.arrive $0xFFFF  }
0xba: {  	_ =	strace $0x90000047  }
0xbb: {  	s0 =	stileid.u32;
	[bflag:$0x2] =	sbarrier.arrive $0xFFFF  }
0xbc: {  	p0 =	sne.s32 s0, $0x0;
	s0 =	rddreg [dreg:$0x3]  }
0xbd: {  	s0 =	sadd.s32 @!p0 $0x100000, s0  }
0xbe: {  	[sflag:s0] =	ssyncadd.tile.s32 @!p0 $0x1;
	_ =	shalt  }
.Lfunc_end2:
_tile_overlayer_lowered:
.L_overlay_start_2:
0xbf: {  	(tag) =	ssettag $0x2  }
0xc0: {  	s0 =	rddreg [dreg:$0x0];
	s2 =	stileid.u32  }
0xc1: {  	s1 =	rddreg [dreg:$0x1];
	p0 =	sne.s32 s2, $0x0  }
0xc2: {  	s3 =	rddreg [dreg:$0x2];
	[bflag:$0x3] =	sbarrier.arrive $0xFFFF;
	s2 =	simm.s32 @!p0 $0x1C02  }
0xc3: {  	[timem:s3], [sflag:s2] =	dma.local @!p0 [hbm:s0], s1  }
0xc4: {  	s0 =	simm.s32 @!p0 $0x2  }
0xc5: {  	_ =	swait.ge @!p0 [sflag:s0], s1  }
0xc6: {  	s1 =	ssub.s32 @!p0 $0x0, s1;
	[sflag:s0] =	ssyncset.done @!p0 $0x0  }
0xc7: {  	[sflag:s0] =	ssyncadd.s32 @!p0 s1  }
0xc8: {  	[bflag:$0x3] =	sbarrier.arrive $0xFFFF  }
0xc9: {  	_ =	shalt  }

</sc_bundles>
